<compile_context>
chip_gen: v7x
topology: tpu7x:2x2x1
jax: 0.10.2.dev20260603
libtpu: 0.0.44.dev20260713+nightly
codegen_flags: <defaults>
</compile_context>

<pallas_src>
import jax
import jax.numpy as jnp
from jax import lax
from jax.experimental import pallas as pl
from jax.experimental.pallas import tpu as pltpu
from jax.experimental.pallas import tpu_sc as plsc

B = 16384
A = 200
NC = 2
NS = 16
NW = NC * NS
R = B // NW
L = 16
TR = B // 128
CHI = A // 8
KPW = R // 128


def _sc_body(spec_hbm, energies_hbm, table_hbm, out_hbm,
             buf0, buf1, en_v, tab_v, res_v, sem0, sem1):
    wid = lax.axis_index("s") * NC + lax.axis_index("c")
    base = wid * R

    pltpu.sync_copy(energies_hbm.at[pl.ds(base, R)], en_v)
    pltpu.sync_copy(table_hbm, tab_v.at[pl.ds(0, 7)])

    bufs = (buf0, buf1)
    sems = (sem0, sem1)

    def start(k):
        return pltpu.async_copy(
            spec_hbm.at[:, wid * KPW + k, :], bufs[k % 2], sems[k % 2])

    t_vec = tab_v[...]

    copies = [start(0)]
    for k in range(KPW):
        if k + 1 < KPW:
            copies.append(start(k + 1))
        copies[k].wait()
        buf = bufs[k % 2]

        def lane_group(g, _):
            g16 = g * L

            def col_tile(chi, carry):
                acc0, acc1 = carry
                for clo in range(8):
                    sv = buf[chi, pl.ds(clo * 128 + g16, L)]
                    sae = jnp.take_along_axis(t_vec, sv, axis=0,
                                              mode="promise_in_bounds")
                    if clo % 2 == 0:
                        acc0 = acc0 + sae
                    else:
                        acc1 = acc1 + sae
                return acc0, acc1

            z = jnp.zeros((L,), jnp.float32)
            acc0, acc1 = lax.fori_loop(0, CHI, col_tile, (z, z))
            rbase = k * 128 + g16
            res_v[pl.ds(rbase, L)] = (acc0 + acc1) + en_v[pl.ds(rbase, L)]
            return 0

        lax.fori_loop(0, 128 // L, lane_group, 0)

    pltpu.sync_copy(res_v, out_hbm.at[pl.ds(base, R)])


def _tc_copy_body(x_ref, o_ref):
    o_ref[...] = x_ref[...]


@jax.jit
def _shift(spec_lin, energies, self_energies):
    mesh = plsc.VectorSubcoreMesh(core_axis_name="c", subcore_axis_name="s")
    fn = pl.kernel(
        _sc_body,
        mesh=mesh,
        compiler_params=pltpu.CompilerParams(use_tc_tiling_on_sc=False,
                                             needs_layout_passes=False),
        out_type=jax.ShapeDtypeStruct((B,), jnp.float32),
        scratch_types=[
            pltpu.VMEM((CHI, 1024), jnp.int32),
            pltpu.VMEM((CHI, 1024), jnp.int32),
            pltpu.VMEM((R,), jnp.float32),
            pltpu.VMEM((L,), jnp.float32),
            pltpu.VMEM((R,), jnp.float32),
            pltpu.SemaphoreType.DMA,
            pltpu.SemaphoreType.DMA,
        ],
    )
    return fn(spec_lin, energies, self_energies)


@jax.jit
def _passthrough(species_t):
    return pl.pallas_call(
        _tc_copy_body,
        grid=(CHI,),
        in_specs=[pl.BlockSpec((8, B), lambda i: (i, 0))],
        out_specs=pl.BlockSpec((8, B), lambda i: (i, 0)),
        out_shape=jax.ShapeDtypeStruct((A, B), jnp.int32),
    )(species_t)


def kernel(species, energies, self_energies):
    spec_lin = (species.astype(jnp.int32)
                .reshape(TR, 128, CHI, 8)
                .transpose(2, 0, 3, 1)
                .reshape(CHI, TR, 1024))
    out = _shift(spec_lin, energies, self_energies)
    species_out = _passthrough(species.astype(jnp.int32).T).T
    return (species_out.astype(species.dtype), out)

# --- scband reference (transcript-rebuilt; emitter-appended) ---
"""Pipeline reference for scband-energy-shifter-83279415869989 (READ-ONLY COPY).

The authoritative reference and input builder live on the scoring server;
editing this copy changes nothing except your own understanding.
"""

import jax, jax.numpy as jnp
import numpy as np

SELF_ENERGIES = [-0.4993212, -37.8338334, -54.5732825, -75.0424519, -99.6949007, -398.0814169, -460.1167006]

def setup_inputs(seed: int = 0) -> dict:
    key = jax.random.key(seed)
    k1, k2 = jax.random.split(key)
    species = jax.random.randint(k1, (16384, 200), 0, 7, dtype=jnp.int64 if jax.config.jax_enable_x64 else jnp.int32)
    energies = jax.random.normal(k2, (16384,), dtype=jnp.float32)
    self_energies = jnp.asarray(SELF_ENERGIES, dtype=jnp.float32)
    return {"species": species, "energies": energies, "self_energies": self_energies}

def reference(species, energies, self_energies):
    # _atomic_saes: gather self energies per atom, mask padding (-1) atoms to 0
    atomic_sae = jnp.take(self_energies, jnp.clip(species, 0, self_energies.shape[0] - 1), axis=0)
    atomic_sae = jnp.where(species == -1, 0.0, atomic_sae)
    # sae: sum over atoms dim (fit_intercept=False, so no intercept term)
    sae = atomic_sae.sum(axis=1)
    # forward returns (species, energies + sae)
    return (species, energies + sae)

if __name__ == "__main__":
    import jax
    _d = setup_inputs()
    print(jax.jit(kernel)(*tuple(_d.values())))

</pallas_src>

<mosaic_0001>
#map = affine_map<(d0, d1) -> (0, 0, 0)>
#map1 = affine_map<(d0, d1) -> (0)>
module attributes {stable_mosaic.version = 14 : i64} {
  func.func @_sc_body(%arg0: i32, %arg1: i32, %arg2: memref<25x128x1024xi32, #tpu.memory_space<hbm>>, %arg3: memref<16384xf32, #tpu.memory_space<hbm>>, %arg4: memref<7xf32, #tpu.memory_space<hbm>>, %arg5: memref<16384xf32, #tpu.memory_space<hbm>>, %arg6: memref<25x1024xi32, #tpu.memory_space<vmem>>, %arg7: memref<25x1024xi32, #tpu.memory_space<vmem>>, %arg8: memref<512xf32, #tpu.memory_space<vmem>>, %arg9: memref<16xf32, #tpu.memory_space<vmem>>, %arg10: memref<512xf32, #tpu.memory_space<vmem>>, %arg11: memref<!tpu.dma_semaphore, #tpu.memory_space<semaphore_mem>>, %arg12: memref<!tpu.dma_semaphore, #tpu.memory_space<semaphore_mem>>) attributes {dimension_semantics = [#tpu.dimension_semantics<core_parallel>, #tpu.dimension_semantics<subcore_parallel>], iteration_bounds = array<i64: 2, 16>, scalar_prefetch = 0 : i64, scratch_operands = 7 : i64, tpu.core_type = #tpu.core_type<sc_vector_subcore>, window_params = [{transform_indices = #map}, {transform_indices = #map1}, {transform_indices = #map1}, {transform_indices = #map1}]} {
    %mul3A = arith.constant 2 : i32
    %mul3A_0 = arith.muli %arg1, %mul3A : i32
    %add3A = arith.addi %mul3A_0, %arg0 : i32
    %mul3A_1 = arith.constant 512 : i32
    %mul3A_2 = arith.muli %add3A, %mul3A_1 : i32
    "tpu.region"() ({
      %run_scoped3A = tpu.sem_alloc : memref<!tpu.dma_semaphore, #tpu.memory_space<semaphore_mem>>
      %dma_start3A_109 = tpu.memref_slice %arg3[%mul3A_2] : memref<16384xf32, #tpu.memory_space<hbm>> -> memref<512xf32, #tpu.memory_space<hbm>>
      %dma_start3A_110 = tpu.memref_slice %arg3[%mul3A_2] : memref<16384xf32, #tpu.memory_space<hbm>> -> memref<512xf32, #tpu.memory_space<hbm>>
      tpu.enqueue_dma source(%dma_start3A_110 : memref<512xf32, #tpu.memory_space<hbm>>) target(%arg8 : memref<512xf32, #tpu.memory_space<vmem>>) target_semaphore(%run_scoped3A : memref<!tpu.dma_semaphore, #tpu.memory_space<semaphore_mem>>)
      %dma_wait3A_111 = tpu.memref_slice %arg3[%mul3A_2] : memref<16384xf32, #tpu.memory_space<hbm>> -> memref<512xf32, #tpu.memory_space<hbm>>
      %dma_wait3A_112 = tpu.memref_slice %arg3[%mul3A_2] : memref<16384xf32, #tpu.memory_space<hbm>> -> memref<512xf32, #tpu.memory_space<hbm>>
      tpu.wait_dma2 semaphore(%run_scoped3A : memref<!tpu.dma_semaphore, #tpu.memory_space<semaphore_mem>>) src(%dma_wait3A_112 : memref<512xf32, #tpu.memory_space<hbm>>) dst(%arg8 : memref<512xf32, #tpu.memory_space<vmem>>)
      tpu.yield
    }) : () -> ()
    "tpu.region"() ({
      %run_scoped3A = tpu.sem_alloc : memref<!tpu.dma_semaphore, #tpu.memory_space<semaphore_mem>>
      %dma_start3A_109 = arith.constant 0 : i32
      %dma_start3A_110 = tpu.memref_slice %arg9[%dma_start3A_109] : memref<16xf32, #tpu.memory_space<vmem>> -> memref<7xf32, #tpu.memory_space<vmem>>
      %dma_start3A_111 = arith.constant 0 : i32
      %dma_start3A_112 = tpu.memref_slice %arg9[%dma_start3A_111] : memref<16xf32, #tpu.memory_space<vmem>> -> memref<7xf32, #tpu.memory_space<vmem>>
      tpu.enqueue_dma source(%arg4 : memref<7xf32, #tpu.memory_space<hbm>>) target(%dma_start3A_112 : memref<7xf32, #tpu.memory_space<vmem>>) target_semaphore(%run_scoped3A : memref<!tpu.dma_semaphore, #tpu.memory_space<semaphore_mem>>)
      %dma_wait3A_113 = arith.constant 0 : i32
      %dma_wait3A_114 = tpu.memref_slice %arg9[%dma_wait3A_113] : memref<16xf32, #tpu.memory_space<vmem>> -> memref<7xf32, #tpu.memory_space<vmem>>
      %dma_wait3A_115 = arith.constant 0 : i32
      %dma_wait3A_116 = tpu.memref_slice %arg9[%dma_wait3A_115] : memref<16xf32, #tpu.memory_space<vmem>> -> memref<7xf32, #tpu.memory_space<vmem>>
      tpu.wait_dma2 semaphore(%run_scoped3A : memref<!tpu.dma_semaphore, #tpu.memory_space<semaphore_mem>>) src(%arg4 : memref<7xf32, #tpu.memory_space<hbm>>) dst(%dma_wait3A_116 : memref<7xf32, #tpu.memory_space<vmem>>)
      tpu.yield
    }) : () -> ()
    %get3A = arith.constant 0 : index
    %get3A_3 = tpu.vector_load %arg9[%get3A] {strides = array<i32>} : memref<16xf32, #tpu.memory_space<vmem>>, vector<16xf32>,
    %mul3A_4 = arith.constant 4 : i32
    %mul3A_5 = arith.muli %add3A, %mul3A_4 : i32
    %add3A_6 = arith.constant 0 : i32
    %add3A_7 = arith.addi %mul3A_5, %add3A_6 : i32
    %dma_start3A = arith.constant 0 : i32
    %dma_start3A_8 = arith.constant 0 : i32
    %dma_start3A_9 = tpu.memref_slice %arg2[%dma_start3A, %add3A_7, %dma_start3A_8] : memref<25x128x1024xi32, #tpu.memory_space<hbm>> -> memref<25x1x1024xi32, #tpu.memory_space<hbm>>
    %dma_start3A_10 = tpu.memref_squeeze %dma_start3A_9 : memref<25x1x1024xi32, #tpu.memory_space<hbm>> -> memref<25x1024xi32, #tpu.memory_space<hbm>>
    %dma_start3A_11 = arith.constant 0 : i32
    %dma_start3A_12 = arith.constant 0 : i32
    %dma_start3A_13 = tpu.memref_slice %arg2[%dma_start3A_11, %add3A_7, %dma_start3A_12] : memref<25x128x1024xi32, #tpu.memory_space<hbm>> -> memref<25x1x1024xi32, #tpu.memory_space<hbm>>
    %dma_start3A_14 = tpu.memref_squeeze %dma_start3A_13 : memref<25x1x1024xi32, #tpu.memory_space<hbm>> -> memref<25x1024xi32, #tpu.memory_space<hbm>>
    tpu.enqueue_dma source(%dma_start3A_14 : memref<25x1024xi32, #tpu.memory_space<hbm>>) target(%arg6 : memref<25x1024xi32, #tpu.memory_space<vmem>>) target_semaphore(%arg11 : memref<!tpu.dma_semaphore, #tpu.memory_space<semaphore_mem>>)
    %mul3A_15 = arith.constant 4 : i32
    %mul3A_16 = arith.muli %add3A, %mul3A_15 : i32
    %add3A_17 = arith.constant 1 : i32
    %add3A_18 = arith.addi %mul3A_16, %add3A_17 : i32
    %dma_start3A_19 = arith.constant 0 : i32
    %dma_start3A_20 = arith.constant 0 : i32
    %dma_start3A_21 = tpu.memref_slice %arg2[%dma_start3A_19, %add3A_18, %dma_start3A_20] : memref<25x128x1024xi32, #tpu.memory_space<hbm>> -> memref<25x1x1024xi32, #tpu.memory_space<hbm>>
    %dma_start3A_22 = tpu.memref_squeeze %dma_start3A_21 : memref<25x1x1024xi32, #tpu.memory_space<hbm>> -> memref<25x1024xi32, #tpu.memory_space<hbm>>
    %dma_start3A_23 = arith.constant 0 : i32
    %dma_start3A_24 = arith.constant 0 : i32
    %dma_start3A_25 = tpu.memref_slice %arg2[%dma_start3A_23, %add3A_18, %dma_start3A_24] : memref<25x128x1024xi32, #tpu.memory_space<hbm>> -> memref<25x1x1024xi32, #tpu.memory_space<hbm>>
    %dma_start3A_26 = tpu.memref_squeeze %dma_start3A_25 : memref<25x1x1024xi32, #tpu.memory_space<hbm>> -> memref<25x1024xi32, #tpu.memory_space<hbm>>
    tpu.enqueue_dma source(%dma_start3A_26 : memref<25x1024xi32, #tpu.memory_space<hbm>>) target(%arg7 : memref<25x1024xi32, #tpu.memory_space<vmem>>) target_semaphore(%arg12 : memref<!tpu.dma_semaphore, #tpu.memory_space<semaphore_mem>>)
    %dma_wait3A = arith.constant 0 : i32
    %dma_wait3A_27 = arith.constant 0 : i32
    %dma_wait3A_28 = tpu.memref_slice %arg2[%dma_wait3A, %add3A_7, %dma_wait3A_27] : memref<25x128x1024xi32, #tpu.memory_space<hbm>> -> memref<25x1x1024xi32, #tpu.memory_space<hbm>>
    %dma_wait3A_29 = tpu.memref_squeeze %dma_wait3A_28 : memref<25x1x1024xi32, #tpu.memory_space<hbm>> -> memref<25x1024xi32, #tpu.memory_space<hbm>>
    %dma_wait3A_30 = arith.constant 0 : i32
    %dma_wait3A_31 = arith.constant 0 : i32
    %dma_wait3A_32 = tpu.memref_slice %arg2[%dma_wait3A_30, %add3A_7, %dma_wait3A_31] : memref<25x128x1024xi32, #tpu.memory_space<hbm>> -> memref<25x1x1024xi32, #tpu.memory_space<hbm>>
    %dma_wait3A_33 = tpu.memref_squeeze %dma_wait3A_32 : memref<25x1x1024xi32, #tpu.memory_space<hbm>> -> memref<25x1024xi32, #tpu.memory_space<hbm>>
    tpu.wait_dma2 semaphore(%arg11 : memref<!tpu.dma_semaphore, #tpu.memory_space<semaphore_mem>>) src(%dma_wait3A_33 : memref<25x1024xi32, #tpu.memory_space<hbm>>) dst(%arg6 : memref<25x1024xi32, #tpu.memory_space<vmem>>)
    %scan3A = arith.constant 0 : i32
    %scan3A_34 = arith.constant 0 : i32
    %scan3A_35 = arith.constant 8 : i32
    %scan3A_36 = arith.addi %scan3A_34, %scan3A_35 : i32
    %scan3A_37 = arith.constant 1 : i32
    %scan3A_38 = scf.for %scan3A_109 = %scan3A_34 to %scan3A_36 step %scan3A_37 iter_args(%scan3A_110 = %scan3A) -> (i32)  : i32 {
      %mul3A_111 = arith.constant 16 : i32
      %mul3A_112 = arith.muli %scan3A_109, %mul3A_111 : i32
      %broadcast_in_dim3A = arith.constant 0.000000e+00 : f32
      %broadcast_in_dim3A_113 = vector.broadcast %broadcast_in_dim3A : f32 to vector<16xf32>
      %scan3A_114 = arith.constant 0 : i32
      %scan3A_115 = arith.constant 25 : i32
      %scan3A_116 = arith.addi %scan3A_114, %scan3A_115 : i32
      %scan3A_117 = arith.constant 1 : i32
      %scan3A_118:2 = scf.for %scan3A_128 = %scan3A_114 to %scan3A_116 step %scan3A_117 iter_args(%scan3A_129 = %broadcast_in_dim3A_113, %scan3A_130 = %broadcast_in_dim3A_113) -> (vector<16xf32>, vector<16xf32>)  : i32 {
        %add3A_131 = arith.constant 0 : i32
        %add3A_132 = arith.addi %add3A_131, %mul3A_112 : i32
        %get3A_133 = arith.index_cast %scan3A_128 : i32 to index
        %get3A_134 = arith.index_cast %add3A_132 : i32 to index
        %get3A_135 = tpu.vector_load %arg6[%get3A_133, %get3A_134] {strides = array<i32>} : memref<25x1024xi32, #tpu.memory_space<vmem>>, vector<16xi32>,
        %reshape3A = vector.shape_cast %get3A_135 : vector<16xi32> to vector<16x1xi32>
        %gather3A = vector.shape_cast %reshape3A : vector<16x1xi32> to vector<16xi32>
        %gather3A_136 = tpu.dynamic_gather %get3A_3[%gather3A] in [0] : vector<16xf32>, vector<16xi32> -> vector<16xf32>
        %add3A_137 = arith.addf %scan3A_129, %gather3A_136 : vector<16xf32>
        %add3A_138 = arith.constant 128 : i32
        %add3A_139 = arith.addi %add3A_138, %mul3A_112 : i32
        %get3A_140 = arith.index_cast %scan3A_128 : i32 to index
        %get3A_141 = arith.index_cast %add3A_139 : i32 to index
        %get3A_142 = tpu.vector_load %arg6[%get3A_140, %get3A_141] {strides = array<i32>} : memref<25x1024xi32, #tpu.memory_space<vmem>>, vector<16xi32>,
        %reshape3A_143 = vector.shape_cast %get3A_142 : vector<16xi32> to vector<16x1xi32>
        %gather3A_144 = vector.shape_cast %reshape3A_143 : vector<16x1xi32> to vector<16xi32>
        %gather3A_145 = tpu.dynamic_gather %get3A_3[%gather3A_144] in [0] : vector<16xf32>, vector<16xi32> -> vector<16xf32>
        %add3A_146 = arith.addf %scan3A_130, %gather3A_145 : vector<16xf32>
        %add3A_147 = arith.constant 256 : i32
        %add3A_148 = arith.addi %add3A_147, %mul3A_112 : i32
        %get3A_149 = arith.index_cast %scan3A_128 : i32 to index
        %get3A_150 = arith.index_cast %add3A_148 : i32 to index
        %get3A_151 = tpu.vector_load %arg6[%get3A_149, %get3A_150] {strides = array<i32>} : memref<25x1024xi32, #tpu.memory_space<vmem>>, vector<16xi32>,
        %reshape3A_152 = vector.shape_cast %get3A_151 : vector<16xi32> to vector<16x1xi32>
        %gather3A_153 = vector.shape_cast %reshape3A_152 : vector<16x1xi32> to vector<16xi32>
        %gather3A_154 = tpu.dynamic_gather %get3A_3[%gather3A_153] in [0] : vector<16xf32>, vector<16xi32> -> vector<16xf32>
        %add3A_155 = arith.addf %add3A_137, %gather3A_154 : vector<16xf32>
        %add3A_156 = arith.constant 384 : i32
        %add3A_157 = arith.addi %add3A_156, %mul3A_112 : i32
        %get3A_158 = arith.index_cast %scan3A_128 : i32 to index
        %get3A_159 = arith.index_cast %add3A_157 : i32 to index
        %get3A_160 = tpu.vector_load %arg6[%get3A_158, %get3A_159] {strides = array<i32>} : memref<25x1024xi32, #tpu.memory_space<vmem>>, vector<16xi32>,
        %reshape3A_161 = vector.shape_cast %get3A_160 : vector<16xi32> to vector<16x1xi32>
        %gather3A_162 = vector.shape_cast %reshape3A_161 : vector<16x1xi32> to vector<16xi32>
        %gather3A_163 = tpu.dynamic_gather %get3A_3[%gather3A_162] in [0] : vector<16xf32>, vector<16xi32> -> vector<16xf32>
        %add3A_164 = arith.addf %add3A_146, %gather3A_163 : vector<16xf32>
        %add3A_165 = arith.constant 512 : i32
        %add3A_166 = arith.addi %add3A_165, %mul3A_112 : i32
        %get3A_167 = arith.index_cast %scan3A_128 : i32 to index
        %get3A_168 = arith.index_cast %add3A_166 : i32 to index
        %get3A_169 = tpu.vector_load %arg6[%get3A_167, %get3A_168] {strides = array<i32>} : memref<25x1024xi32, #tpu.memory_space<vmem>>, vector<16xi32>,
        %reshape3A_170 = vector.shape_cast %get3A_169 : vector<16xi32> to vector<16x1xi32>
        %gather3A_171 = vector.shape_cast %reshape3A_170 : vector<16x1xi32> to vector<16xi32>
        %gather3A_172 = tpu.dynamic_gather %get3A_3[%gather3A_171] in [0] : vector<16xf32>, vector<16xi32> -> vector<16xf32>
        %add3A_173 = arith.addf %add3A_155, %gather3A_172 : vector<16xf32>
        %add3A_174 = arith.constant 640 : i32
        %add3A_175 = arith.addi %add3A_174, %mul3A_112 : i32
        %get3A_176 = arith.index_cast %scan3A_128 : i32 to index
        %get3A_177 = arith.index_cast %add3A_175 : i32 to index
        %get3A_178 = tpu.vector_load %arg6[%get3A_176, %get3A_177] {strides = array<i32>} : memref<25x1024xi32, #tpu.memory_space<vmem>>, vector<16xi32>,
        %reshape3A_179 = vector.shape_cast %get3A_178 : vector<16xi32> to vector<16x1xi32>
        %gather3A_180 = vector.shape_cast %reshape3A_179 : vector<16x1xi32> to vector<16xi32>
        %gather3A_181 = tpu.dynamic_gather %get3A_3[%gather3A_180] in [0] : vector<16xf32>, vector<16xi32> -> vector<16xf32>
        %add3A_182 = arith.addf %add3A_164, %gather3A_181 : vector<16xf32>
        %add3A_183 = arith.constant 768 : i32
        %add3A_184 = arith.addi %add3A_183, %mul3A_112 : i32
        %get3A_185 = arith.index_cast %scan3A_128 : i32 to index
        %get3A_186 = arith.index_cast %add3A_184 : i32 to index
        %get3A_187 = tpu.vector_load %arg6[%get3A_185, %get3A_186] {strides = array<i32>} : memref<25x1024xi32, #tpu.memory_space<vmem>>, vector<16xi32>,
        %reshape3A_188 = vector.shape_cast %get3A_187 : vector<16xi32> to vector<16x1xi32>
        %gather3A_189 = vector.shape_cast %reshape3A_188 : vector<16x1xi32> to vector<16xi32>
        %gather3A_190 = tpu.dynamic_gather %get3A_3[%gather3A_189] in [0] : vector<16xf32>, vector<16xi32> -> vector<16xf32>
        %add3A_191 = arith.addf %add3A_173, %gather3A_190 : vector<16xf32>
        %add3A_192 = arith.constant 896 : i32
        %add3A_193 = arith.addi %add3A_192, %mul3A_112 : i32
        %get3A_194 = arith.index_cast %scan3A_128 : i32 to index
        %get3A_195 = arith.index_cast %add3A_193 : i32 to index
        %get3A_196 = tpu.vector_load %arg6[%get3A_194, %get3A_195] {strides = array<i32>} : memref<25x1024xi32, #tpu.memory_space<vmem>>, vector<16xi32>,
        %reshape3A_197 = vector.shape_cast %get3A_196 : vector<16xi32> to vector<16x1xi32>
        %gather3A_198 = vector.shape_cast %reshape3A_197 : vector<16x1xi32> to vector<16xi32>
        %gather3A_199 = tpu.dynamic_gather %get3A_3[%gather3A_198] in [0] : vector<16xf32>, vector<16xi32> -> vector<16xf32>
        %add3A_200 = arith.addf %add3A_182, %gather3A_199 : vector<16xf32>
        scf.yield %add3A_191, %add3A_200 : vector<16xf32>, vector<16xf32>
      }
      %scan3A_119 = arith.constant 25 : i32
      %add3A_120 = arith.constant 0 : i32
      %add3A_121 = arith.addi %add3A_120, %mul3A_112 : i32
      %add3A_122 = arith.addf %scan3A_118#0, %scan3A_118#1 : vector<16xf32>
      %get3A_123 = arith.index_cast %add3A_121 : i32 to index
      %get3A_124 = tpu.vector_load %arg8[%get3A_123] {strides = array<i32>} : memref<512xf32, #tpu.memory_space<vmem>>, vector<16xf32>,
      %add3A_125 = arith.addf %add3A_122, %get3A_124 : vector<16xf32>
      %swap3A = arith.index_cast %add3A_121 : i32 to index
      %swap3A_126 = tpu.vector_load %arg10[%swap3A] {strides = array<i32>} : memref<512xf32, #tpu.memory_space<vmem>>, vector<16xf32>,
      tpu.vector_store %arg10[%swap3A], %add3A_125 {strides = array<i32>} : memref<512xf32, #tpu.memory_space<vmem>>, vector<16xf32>,
      %scan3A_127 = arith.constant 0 : i32
      scf.yield %scan3A_127 : i32
    }
    %scan3A_39 = arith.constant 8 : i32
    %mul3A_40 = arith.constant 4 : i32
    %mul3A_41 = arith.muli %add3A, %mul3A_40 : i32
    %add3A_42 = arith.constant 2 : i32
    %add3A_43 = arith.addi %mul3A_41, %add3A_42 : i32
    %dma_start3A_44 = arith.constant 0 : i32
    %dma_start3A_45 = arith.constant 0 : i32
    %dma_start3A_46 = tpu.memref_slice %arg2[%dma_start3A_44, %add3A_43, %dma_start3A_45] : memref<25x128x1024xi32, #tpu.memory_space<hbm>> -> memref<25x1x1024xi32, #tpu.memory_space<hbm>>
    %dma_start3A_47 = tpu.memref_squeeze %dma_start3A_46 : memref<25x1x1024xi32, #tpu.memory_space<hbm>> -> memref<25x1024xi32, #tpu.memory_space<hbm>>
    %dma_start3A_48 = arith.constant 0 : i32
    %dma_start3A_49 = arith.constant 0 : i32
    %dma_start3A_50 = tpu.memref_slice %arg2[%dma_start3A_48, %add3A_43, %dma_start3A_49] : memref<25x128x1024xi32, #tpu.memory_space<hbm>> -> memref<25x1x1024xi32, #tpu.memory_space<hbm>>
    %dma_start3A_51 = tpu.memref_squeeze %dma_start3A_50 : memref<25x1x1024xi32, #tpu.memory_space<hbm>> -> memref<25x1024xi32, #tpu.memory_space<hbm>>
    tpu.enqueue_dma source(%dma_start3A_51 : memref<25x1024xi32, #tpu.memory_space<hbm>>) target(%arg6 : memref<25x1024xi32, #tpu.memory_space<vmem>>) target_semaphore(%arg11 : memref<!tpu.dma_semaphore, #tpu.memory_space<semaphore_mem>>)
    %dma_wait3A_52 = arith.constant 0 : i32
    %dma_wait3A_53 = arith.constant 0 : i32
    %dma_wait3A_54 = tpu.memref_slice %arg2[%dma_wait3A_52, %add3A_18, %dma_wait3A_53] : memref<25x128x1024xi32, #tpu.memory_space<hbm>> -> memref<25x1x1024xi32, #tpu.memory_space<hbm>>
    %dma_wait3A_55 = tpu.memref_squeeze %dma_wait3A_54 : memref<25x1x1024xi32, #tpu.memory_space<hbm>> -> memref<25x1024xi32, #tpu.memory_space<hbm>>
    %dma_wait3A_56 = arith.constant 0 : i32
    %dma_wait3A_57 = arith.constant 0 : i32
    %dma_wait3A_58 = tpu.memref_slice %arg2[%dma_wait3A_56, %add3A_18, %dma_wait3A_57] : memref<25x128x1024xi32, #tpu.memory_space<hbm>> -> memref<25x1x1024xi32, #tpu.memory_space<hbm>>
    %dma_wait3A_59 = tpu.memref_squeeze %dma_wait3A_58 : memref<25x1x1024xi32, #tpu.memory_space<hbm>> -> memref<25x1024xi32, #tpu.memory_space<hbm>>
    tpu.wait_dma2 semaphore(%arg12 : memref<!tpu.dma_semaphore, #tpu.memory_space<semaphore_mem>>) src(%dma_wait3A_59 : memref<25x1024xi32, #tpu.memory_space<hbm>>) dst(%arg7 : memref<25x1024xi32, #tpu.memory_space<vmem>>)
    %scan3A_60 = arith.constant 0 : i32
    %scan3A_61 = arith.constant 0 : i32
    %scan3A_62 = arith.constant 8 : i32
    %scan3A_63 = arith.addi %scan3A_61, %scan3A_62 : i32
    %scan3A_64 = arith.constant 1 : i32
    %scan3A_65 = scf.for %scan3A_109 = %scan3A_61 to %scan3A_63 step %scan3A_64 iter_args(%scan3A_110 = %scan3A_60) -> (i32)  : i32 {
      %mul3A_111 = arith.constant 16 : i32
      %mul3A_112 = arith.muli %scan3A_109, %mul3A_111 : i32
      %broadcast_in_dim3A = arith.constant 0.000000e+00 : f32
      %broadcast_in_dim3A_113 = vector.broadcast %broadcast_in_dim3A : f32 to vector<16xf32>
      %scan3A_114 = arith.constant 0 : i32
      %scan3A_115 = arith.constant 25 : i32
      %scan3A_116 = arith.addi %scan3A_114, %scan3A_115 : i32
      %scan3A_117 = arith.constant 1 : i32
      %scan3A_118:2 = scf.for %scan3A_128 = %scan3A_114 to %scan3A_116 step %scan3A_117 iter_args(%scan3A_129 = %broadcast_in_dim3A_113, %scan3A_130 = %broadcast_in_dim3A_113) -> (vector<16xf32>, vector<16xf32>)  : i32 {
        %add3A_131 = arith.constant 0 : i32
        %add3A_132 = arith.addi %add3A_131, %mul3A_112 : i32
        %get3A_133 = arith.index_cast %scan3A_128 : i32 to index
        %get3A_134 = arith.index_cast %add3A_132 : i32 to index
        %get3A_135 = tpu.vector_load %arg7[%get3A_133, %get3A_134] {strides = array<i32>} : memref<25x1024xi32, #tpu.memory_space<vmem>>, vector<16xi32>,
        %reshape3A = vector.shape_cast %get3A_135 : vector<16xi32> to vector<16x1xi32>
        %gather3A = vector.shape_cast %reshape3A : vector<16x1xi32> to vector<16xi32>
        %gather3A_136 = tpu.dynamic_gather %get3A_3[%gather3A] in [0] : vector<16xf32>, vector<16xi32> -> vector<16xf32>
        %add3A_137 = arith.addf %scan3A_129, %gather3A_136 : vector<16xf32>
        %add3A_138 = arith.constant 128 : i32
        %add3A_139 = arith.addi %add3A_138, %mul3A_112 : i32
        %get3A_140 = arith.index_cast %scan3A_128 : i32 to index
        %get3A_141 = arith.index_cast %add3A_139 : i32 to index
        %get3A_142 = tpu.vector_load %arg7[%get3A_140, %get3A_141] {strides = array<i32>} : memref<25x1024xi32, #tpu.memory_space<vmem>>, vector<16xi32>,
        %reshape3A_143 = vector.shape_cast %get3A_142 : vector<16xi32> to vector<16x1xi32>
        %gather3A_144 = vector.shape_cast %reshape3A_143 : vector<16x1xi32> to vector<16xi32>
        %gather3A_145 = tpu.dynamic_gather %get3A_3[%gather3A_144] in [0] : vector<16xf32>, vector<16xi32> -> vector<16xf32>
        %add3A_146 = arith.addf %scan3A_130, %gather3A_145 : vector<16xf32>
        %add3A_147 = arith.constant 256 : i32
        %add3A_148 = arith.addi %add3A_147, %mul3A_112 : i32
        %get3A_149 = arith.index_cast %scan3A_128 : i32 to index
        %get3A_150 = arith.index_cast %add3A_148 : i32 to index
        %get3A_151 = tpu.vector_load %arg7[%get3A_149, %get3A_150] {strides = array<i32>} : memref<25x1024xi32, #tpu.memory_space<vmem>>, vector<16xi32>,
        %reshape3A_152 = vector.shape_cast %get3A_151 : vector<16xi32> to vector<16x1xi32>
        %gather3A_153 = vector.shape_cast %reshape3A_152 : vector<16x1xi32> to vector<16xi32>
        %gather3A_154 = tpu.dynamic_gather %get3A_3[%gather3A_153] in [0] : vector<16xf32>, vector<16xi32> -> vector<16xf32>
        %add3A_155 = arith.addf %add3A_137, %gather3A_154 : vector<16xf32>
        %add3A_156 = arith.constant 384 : i32
        %add3A_157 = arith.addi %add3A_156, %mul3A_112 : i32
        %get3A_158 = arith.index_cast %scan3A_128 : i32 to index
        %get3A_159 = arith.index_cast %add3A_157 : i32 to index
        %get3A_160 = tpu.vector_load %arg7[%get3A_158, %get3A_159] {strides = array<i32>} : memref<25x1024xi32, #tpu.memory_space<vmem>>, vector<16xi32>,
        %reshape3A_161 = vector.shape_cast %get3A_160 : vector<16xi32> to vector<16x1xi32>
        %gather3A_162 = vector.shape_cast %reshape3A_161 : vector<16x1xi32> to vector<16xi32>
        %gather3A_163 = tpu.dynamic_gather %get3A_3[%gather3A_162] in [0] : vector<16xf32>, vector<16xi32> -> vector<16xf32>
        %add3A_164 = arith.addf %add3A_146, %gather3A_163 : vector<16xf32>
        %add3A_165 = arith.constant 512 : i32
        %add3A_166 = arith.addi %add3A_165, %mul3A_112 : i32
        %get3A_167 = arith.index_cast %scan3A_128 : i32 to index
        %get3A_168 = arith.index_cast %add3A_166 : i32 to index
        %get3A_169 = tpu.vector_load %arg7[%get3A_167, %get3A_168] {strides = array<i32>} : memref<25x1024xi32, #tpu.memory_space<vmem>>, vector<16xi32>,
        %reshape3A_170 = vector.shape_cast %get3A_169 : vector<16xi32> to vector<16x1xi32>
        %gather3A_171 = vector.shape_cast %reshape3A_170 : vector<16x1xi32> to vector<16xi32>
        %gather3A_172 = tpu.dynamic_gather %get3A_3[%gather3A_171] in [0] : vector<16xf32>, vector<16xi32> -> vector<16xf32>
        %add3A_173 = arith.addf %add3A_155, %gather3A_172 : vector<16xf32>
        %add3A_174 = arith.constant 640 : i32
        %add3A_175 = arith.addi %add3A_174, %mul3A_112 : i32
        %get3A_176 = arith.index_cast %scan3A_128 : i32 to index
        %get3A_177 = arith.index_cast %add3A_175 : i32 to index
        %get3A_178 = tpu.vector_load %arg7[%get3A_176, %get3A_177] {strides = array<i32>} : memref<25x1024xi32, #tpu.memory_space<vmem>>, vector<16xi32>,
        %reshape3A_179 = vector.shape_cast %get3A_178 : vector<16xi32> to vector<16x1xi32>
        %gather3A_180 = vector.shape_cast %reshape3A_179 : vector<16x1xi32> to vector<16xi32>
        %gather3A_181 = tpu.dynamic_gather %get3A_3[%gather3A_180] in [0] : vector<16xf32>, vector<16xi32> -> vector<16xf32>
        %add3A_182 = arith.addf %add3A_164, %gather3A_181 : vector<16xf32>
        %add3A_183 = arith.constant 768 : i32
        %add3A_184 = arith.addi %add3A_183, %mul3A_112 : i32
        %get3A_185 = arith.index_cast %scan3A_128 : i32 to index
        %get3A_186 = arith.index_cast %add3A_184 : i32 to index
        %get3A_187 = tpu.vector_load %arg7[%get3A_185, %get3A_186] {strides = array<i32>} : memref<25x1024xi32, #tpu.memory_space<vmem>>, vector<16xi32>,
        %reshape3A_188 = vector.shape_cast %get3A_187 : vector<16xi32> to vector<16x1xi32>
        %gather3A_189 = vector.shape_cast %reshape3A_188 : vector<16x1xi32> to vector<16xi32>
        %gather3A_190 = tpu.dynamic_gather %get3A_3[%gather3A_189] in [0] : vector<16xf32>, vector<16xi32> -> vector<16xf32>
        %add3A_191 = arith.addf %add3A_173, %gather3A_190 : vector<16xf32>
        %add3A_192 = arith.constant 896 : i32
        %add3A_193 = arith.addi %add3A_192, %mul3A_112 : i32
        %get3A_194 = arith.index_cast %scan3A_128 : i32 to index
        %get3A_195 = arith.index_cast %add3A_193 : i32 to index
        %get3A_196 = tpu.vector_load %arg7[%get3A_194, %get3A_195] {strides = array<i32>} : memref<25x1024xi32, #tpu.memory_space<vmem>>, vector<16xi32>,
        %reshape3A_197 = vector.shape_cast %get3A_196 : vector<16xi32> to vector<16x1xi32>
        %gather3A_198 = vector.shape_cast %reshape3A_197 : vector<16x1xi32> to vector<16xi32>
        %gather3A_199 = tpu.dynamic_gather %get3A_3[%gather3A_198] in [0] : vector<16xf32>, vector<16xi32> -> vector<16xf32>
        %add3A_200 = arith.addf %add3A_182, %gather3A_199 : vector<16xf32>
        scf.yield %add3A_191, %add3A_200 : vector<16xf32>, vector<16xf32>
      }
      %scan3A_119 = arith.constant 25 : i32
      %add3A_120 = arith.constant 128 : i32
      %add3A_121 = arith.addi %add3A_120, %mul3A_112 : i32
      %add3A_122 = arith.addf %scan3A_118#0, %scan3A_118#1 : vector<16xf32>
      %get3A_123 = arith.index_cast %add3A_121 : i32 to index
      %get3A_124 = tpu.vector_load %arg8[%get3A_123] {strides = array<i32>} : memref<512xf32, #tpu.memory_space<vmem>>, vector<16xf32>,
      %add3A_125 = arith.addf %add3A_122, %get3A_124 : vector<16xf32>
      %swap3A = arith.index_cast %add3A_121 : i32 to index
      %swap3A_126 = tpu.vector_load %arg10[%swap3A] {strides = array<i32>} : memref<512xf32, #tpu.memory_space<vmem>>, vector<16xf32>,
      tpu.vector_store %arg10[%swap3A], %add3A_125 {strides = array<i32>} : memref<512xf32, #tpu.memory_space<vmem>>, vector<16xf32>,
      %scan3A_127 = arith.constant 0 : i32
      scf.yield %scan3A_127 : i32
    }
    %scan3A_66 = arith.constant 8 : i32
    %mul3A_67 = arith.constant 4 : i32
    %mul3A_68 = arith.muli %add3A, %mul3A_67 : i32
    %add3A_69 = arith.constant 3 : i32
    %add3A_70 = arith.addi %mul3A_68, %add3A_69 : i32
    %dma_start3A_71 = arith.constant 0 : i32
    %dma_start3A_72 = arith.constant 0 : i32
    %dma_start3A_73 = tpu.memref_slice %arg2[%dma_start3A_71, %add3A_70, %dma_start3A_72] : memref<25x128x1024xi32, #tpu.memory_space<hbm>> -> memref<25x1x1024xi32, #tpu.memory_space<hbm>>
    %dma_start3A_74 = tpu.memref_squeeze %dma_start3A_73 : memref<25x1x1024xi32, #tpu.memory_space<hbm>> -> memref<25x1024xi32, #tpu.memory_space<hbm>>
    %dma_start3A_75 = arith.constant 0 : i32
    %dma_start3A_76 = arith.constant 0 : i32
    %dma_start3A_77 = tpu.memref_slice %arg2[%dma_start3A_75, %add3A_70, %dma_start3A_76] : memref<25x128x1024xi32, #tpu.memory_space<hbm>> -> memref<25x1x1024xi32, #tpu.memory_space<hbm>>
    %dma_start3A_78 = tpu.memref_squeeze %dma_start3A_77 : memref<25x1x1024xi32, #tpu.memory_space<hbm>> -> memref<25x1024xi32, #tpu.memory_space<hbm>>
    tpu.enqueue_dma source(%dma_start3A_78 : memref<25x1024xi32, #tpu.memory_space<hbm>>) target(%arg7 : memref<25x1024xi32, #tpu.memory_space<vmem>>) target_semaphore(%arg12 : memref<!tpu.dma_semaphore, #tpu.memory_space<semaphore_mem>>)
    %dma_wait3A_79 = arith.constant 0 : i32
    %dma_wait3A_80 = arith.constant 0 : i32
    %dma_wait3A_81 = tpu.memref_slice %arg2[%dma_wait3A_79, %add3A_43, %dma_wait3A_80] : memref<25x128x1024xi32, #tpu.memory_space<hbm>> -> memref<25x1x1024xi32, #tpu.memory_space<hbm>>
    %dma_wait3A_82 = tpu.memref_squeeze %dma_wait3A_81 : memref<25x1x1024xi32, #tpu.memory_space<hbm>> -> memref<25x1024xi32, #tpu.memory_space<hbm>>
    %dma_wait3A_83 = arith.constant 0 : i32
    %dma_wait3A_84 = arith.constant 0 : i32
    %dma_wait3A_85 = tpu.memref_slice %arg2[%dma_wait3A_83, %add3A_43, %dma_wait3A_84] : memref<25x128x1024xi32, #tpu.memory_space<hbm>> -> memref<25x1x1024xi32, #tpu.memory_space<hbm>>
    %dma_wait3A_86 = tpu.memref_squeeze %dma_wait3A_85 : memref<25x1x1024xi32, #tpu.memory_space<hbm>> -> memref<25x1024xi32, #tpu.memory_space<hbm>>
    tpu.wait_dma2 semaphore(%arg11 : memref<!tpu.dma_semaphore, #tpu.memory_space<semaphore_mem>>) src(%dma_wait3A_86 : memref<25x1024xi32, #tpu.memory_space<hbm>>) dst(%arg6 : memref<25x1024xi32, #tpu.memory_space<vmem>>)
    %scan3A_87 = arith.constant 0 : i32
    %scan3A_88 = arith.constant 0 : i32
    %scan3A_89 = arith.constant 8 : i32
    %scan3A_90 = arith.addi %scan3A_88, %scan3A_89 : i32
    %scan3A_91 = arith.constant 1 : i32
    %scan3A_92 = scf.for %scan3A_109 = %scan3A_88 to %scan3A_90 step %scan3A_91 iter_args(%scan3A_110 = %scan3A_87) -> (i32)  : i32 {
      %mul3A_111 = arith.constant 16 : i32
      %mul3A_112 = arith.muli %scan3A_109, %mul3A_111 : i32
      %broadcast_in_dim3A = arith.constant 0.000000e+00 : f32
      %broadcast_in_dim3A_113 = vector.broadcast %broadcast_in_dim3A : f32 to vector<16xf32>
      %scan3A_114 = arith.constant 0 : i32
      %scan3A_115 = arith.constant 25 : i32
      %scan3A_116 = arith.addi %scan3A_114, %scan3A_115 : i32
      %scan3A_117 = arith.constant 1 : i32
      %scan3A_118:2 = scf.for %scan3A_128 = %scan3A_114 to %scan3A_116 step %scan3A_117 iter_args(%scan3A_129 = %broadcast_in_dim3A_113, %scan3A_130 = %broadcast_in_dim3A_113) -> (vector<16xf32>, vector<16xf32>)  : i32 {
        %add3A_131 = arith.constant 0 : i32
        %add3A_132 = arith.addi %add3A_131, %mul3A_112 : i32
        %get3A_133 = arith.index_cast %scan3A_128 : i32 to index
        %get3A_134 = arith.index_cast %add3A_132 : i32 to index
        %get3A_135 = tpu.vector_load %arg6[%get3A_133, %get3A_134] {strides = array<i32>} : memref<25x1024xi32, #tpu.memory_space<vmem>>, vector<16xi32>,
        %reshape3A = vector.shape_cast %get3A_135 : vector<16xi32> to vector<16x1xi32>
        %gather3A = vector.shape_cast %reshape3A : vector<16x1xi32> to vector<16xi32>
        %gather3A_136 = tpu.dynamic_gather %get3A_3[%gather3A] in [0] : vector<16xf32>, vector<16xi32> -> vector<16xf32>
        %add3A_137 = arith.addf %scan3A_129, %gather3A_136 : vector<16xf32>
        %add3A_138 = arith.constant 128 : i32
        %add3A_139 = arith.addi %add3A_138, %mul3A_112 : i32
        %get3A_140 = arith.index_cast %scan3A_128 : i32 to index
        %get3A_141 = arith.index_cast %add3A_139 : i32 to index
        %get3A_142 = tpu.vector_load %arg6[%get3A_140, %get3A_141] {strides = array<i32>} : memref<25x1024xi32, #tpu.memory_space<vmem>>, vector<16xi32>,
        %reshape3A_143 = vector.shape_cast %get3A_142 : vector<16xi32> to vector<16x1xi32>
        %gather3A_144 = vector.shape_cast %reshape3A_143 : vector<16x1xi32> to vector<16xi32>
        %gather3A_145 = tpu.dynamic_gather %get3A_3[%gather3A_144] in [0] : vector<16xf32>, vector<16xi32> -> vector<16xf32>
        %add3A_146 = arith.addf %scan3A_130, %gather3A_145 : vector<16xf32>
        %add3A_147 = arith.constant 256 : i32
        %add3A_148 = arith.addi %add3A_147, %mul3A_112 : i32
        %get3A_149 = arith.index_cast %scan3A_128 : i32 to index
        %get3A_150 = arith.index_cast %add3A_148 : i32 to index
        %get3A_151 = tpu.vector_load %arg6[%get3A_149, %get3A_150] {strides = array<i32>} : memref<25x1024xi32, #tpu.memory_space<vmem>>, vector<16xi32>,
        %reshape3A_152 = vector.shape_cast %get3A_151 : vector<16xi32> to vector<16x1xi32>
        %gather3A_153 = vector.shape_cast %reshape3A_152 : vector<16x1xi32> to vector<16xi32>
        %gather3A_154 = tpu.dynamic_gather %get3A_3[%gather3A_153] in [0] : vector<16xf32>, vector<16xi32> -> vector<16xf32>
        %add3A_155 = arith.addf %add3A_137, %gather3A_154 : vector<16xf32>
        %add3A_156 = arith.constant 384 : i32
        %add3A_157 = arith.addi %add3A_156, %mul3A_112 : i32
        %get3A_158 = arith.index_cast %scan3A_128 : i32 to index
        %get3A_159 = arith.index_cast %add3A_157 : i32 to index
        %get3A_160 = tpu.vector_load %arg6[%get3A_158, %get3A_159] {strides = array<i32>} : memref<25x1024xi32, #tpu.memory_space<vmem>>, vector<16xi32>,
        %reshape3A_161 = vector.shape_cast %get3A_160 : vector<16xi32> to vector<16x1xi32>
        %gather3A_162 = vector.shape_cast %reshape3A_161 : vector<16x1xi32> to vector<16xi32>
        %gather3A_163 = tpu.dynamic_gather %get3A_3[%gather3A_162] in [0] : vector<16xf32>, vector<16xi32> -> vector<16xf32>
        %add3A_164 = arith.addf %add3A_146, %gather3A_163 : vector<16xf32>
        %add3A_165 = arith.constant 512 : i32
        %add3A_166 = arith.addi %add3A_165, %mul3A_112 : i32
        %get3A_167 = arith.index_cast %scan3A_128 : i32 to index
        %get3A_168 = arith.index_cast %add3A_166 : i32 to index
        %get3A_169 = tpu.vector_load %arg6[%get3A_167, %get3A_168] {strides = array<i32>} : memref<25x1024xi32, #tpu.memory_space<vmem>>, vector<16xi32>,
        %reshape3A_170 = vector.shape_cast %get3A_169 : vector<16xi32> to vector<16x1xi32>
        %gather3A_171 = vector.shape_cast %reshape3A_170 : vector<16x1xi32> to vector<16xi32>
        %gather3A_172 = tpu.dynamic_gather %get3A_3[%gather3A_171] in [0] : vector<16xf32>, vector<16xi32> -> vector<16xf32>
        %add3A_173 = arith.addf %add3A_155, %gather3A_172 : vector<16xf32>
        %add3A_174 = arith.constant 640 : i32
        %add3A_175 = arith.addi %add3A_174, %mul3A_112 : i32
        %get3A_176 = arith.index_cast %scan3A_128 : i32 to index
        %get3A_177 = arith.index_cast %add3A_175 : i32 to index
        %get3A_178 = tpu.vector_load %arg6[%get3A_176, %get3A_177] {strides = array<i32>} : memref<25x1024xi32, #tpu.memory_space<vmem>>, vector<16xi32>,
        %reshape3A_179 = vector.shape_cast %get3A_178 : vector<16xi32> to vector<16x1xi32>
        %gather3A_180 = vector.shape_cast %reshape3A_179 : vector<16x1xi32> to vector<16xi32>
        %gather3A_181 = tpu.dynamic_gather %get3A_3[%gather3A_180] in [0] : vector<16xf32>, vector<16xi32> -> vector<16xf32>
        %add3A_182 = arith.addf %add3A_164, %gather3A_181 : vector<16xf32>
        %add3A_183 = arith.constant 768 : i32
        %add3A_184 = arith.addi %add3A_183, %mul3A_112 : i32
        %get3A_185 = arith.index_cast %scan3A_128 : i32 to index
        %get3A_186 = arith.index_cast %add3A_184 : i32 to index
        %get3A_187 = tpu.vector_load %arg6[%get3A_185, %get3A_186] {strides = array<i32>} : memref<25x1024xi32, #tpu.memory_space<vmem>>, vector<16xi32>,
        %reshape3A_188 = vector.shape_cast %get3A_187 : vector<16xi32> to vector<16x1xi32>
        %gather3A_189 = vector.shape_cast %reshape3A_188 : vector<16x1xi32> to vector<16xi32>
        %gather3A_190 = tpu.dynamic_gather %get3A_3[%gather3A_189] in [0] : vector<16xf32>, vector<16xi32> -> vector<16xf32>
        %add3A_191 = arith.addf %add3A_173, %gather3A_190 : vector<16xf32>
        %add3A_192 = arith.constant 896 : i32
        %add3A_193 = arith.addi %add3A_192, %mul3A_112 : i32
        %get3A_194 = arith.index_cast %scan3A_128 : i32 to index
        %get3A_195 = arith.index_cast %add3A_193 : i32 to index
        %get3A_196 = tpu.vector_load %arg6[%get3A_194, %get3A_195] {strides = array<i32>} : memref<25x1024xi32, #tpu.memory_space<vmem>>, vector<16xi32>,
        %reshape3A_197 = vector.shape_cast %get3A_196 : vector<16xi32> to vector<16x1xi32>
        %gather3A_198 = vector.shape_cast %reshape3A_197 : vector<16x1xi32> to vector<16xi32>
        %gather3A_199 = tpu.dynamic_gather %get3A_3[%gather3A_198] in [0] : vector<16xf32>, vector<16xi32> -> vector<16xf32>
        %add3A_200 = arith.addf %add3A_182, %gather3A_199 : vector<16xf32>
        scf.yield %add3A_191, %add3A_200 : vector<16xf32>, vector<16xf32>
      }
      %scan3A_119 = arith.constant 25 : i32
      %add3A_120 = arith.constant 256 : i32
      %add3A_121 = arith.addi %add3A_120, %mul3A_112 : i32
      %add3A_122 = arith.addf %scan3A_118#0, %scan3A_118#1 : vector<16xf32>
      %get3A_123 = arith.index_cast %add3A_121 : i32 to index
      %get3A_124 = tpu.vector_load %arg8[%get3A_123] {strides = array<i32>} : memref<512xf32, #tpu.memory_space<vmem>>, vector<16xf32>,
      %add3A_125 = arith.addf %add3A_122, %get3A_124 : vector<16xf32>
      %swap3A = arith.index_cast %add3A_121 : i32 to index
      %swap3A_126 = tpu.vector_load %arg10[%swap3A] {strides = array<i32>} : memref<512xf32, #tpu.memory_space<vmem>>, vector<16xf32>,
      tpu.vector_store %arg10[%swap3A], %add3A_125 {strides = array<i32>} : memref<512xf32, #tpu.memory_space<vmem>>, vector<16xf32>,
      %scan3A_127 = arith.constant 0 : i32
      scf.yield %scan3A_127 : i32
    }
    %scan3A_93 = arith.constant 8 : i32
    %dma_wait3A_94 = arith.constant 0 : i32
    %dma_wait3A_95 = arith.constant 0 : i32
    %dma_wait3A_96 = tpu.memref_slice %arg2[%dma_wait3A_94, %add3A_70, %dma_wait3A_95] : memref<25x128x1024xi32, #tpu.memory_space<hbm>> -> memref<25x1x1024xi32, #tpu.memory_space<hbm>>
    %dma_wait3A_97 = tpu.memref_squeeze %dma_wait3A_96 : memref<25x1x1024xi32, #tpu.memory_space<hbm>> -> memref<25x1024xi32, #tpu.memory_space<hbm>>
    %dma_wait3A_98 = arith.constant 0 : i32
    %dma_wait3A_99 = arith.constant 0 : i32
    %dma_wait3A_100 = tpu.memref_slice %arg2[%dma_wait3A_98, %add3A_70, %dma_wait3A_99] : memref<25x128x1024xi32, #tpu.memory_space<hbm>> -> memref<25x1x1024xi32, #tpu.memory_space<hbm>>
    %dma_wait3A_101 = tpu.memref_squeeze %dma_wait3A_100 : memref<25x1x1024xi32, #tpu.memory_space<hbm>> -> memref<25x1024xi32, #tpu.memory_space<hbm>>
    tpu.wait_dma2 semaphore(%arg12 : memref<!tpu.dma_semaphore, #tpu.memory_space<semaphore_mem>>) src(%dma_wait3A_101 : memref<25x1024xi32, #tpu.memory_space<hbm>>) dst(%arg7 : memref<25x1024xi32, #tpu.memory_space<vmem>>)
    %scan3A_102 = arith.constant 0 : i32
    %scan3A_103 = arith.constant 0 : i32
    %scan3A_104 = arith.constant 8 : i32
    %scan3A_105 = arith.addi %scan3A_103, %scan3A_104 : i32
    %scan3A_106 = arith.constant 1 : i32
    %scan3A_107 = scf.for %scan3A_109 = %scan3A_103 to %scan3A_105 step %scan3A_106 iter_args(%scan3A_110 = %scan3A_102) -> (i32)  : i32 {
      %mul3A_111 = arith.constant 16 : i32
      %mul3A_112 = arith.muli %scan3A_109, %mul3A_111 : i32
      %broadcast_in_dim3A = arith.constant 0.000000e+00 : f32
      %broadcast_in_dim3A_113 = vector.broadcast %broadcast_in_dim3A : f32 to vector<16xf32>
      %scan3A_114 = arith.constant 0 : i32
      %scan3A_115 = arith.constant 25 : i32
      %scan3A_116 = arith.addi %scan3A_114, %scan3A_115 : i32
      %scan3A_117 = arith.constant 1 : i32
      %scan3A_118:2 = scf.for %scan3A_128 = %scan3A_114 to %scan3A_116 step %scan3A_117 iter_args(%scan3A_129 = %broadcast_in_dim3A_113, %scan3A_130 = %broadcast_in_dim3A_113) -> (vector<16xf32>, vector<16xf32>)  : i32 {
        %add3A_131 = arith.constant 0 : i32
        %add3A_132 = arith.addi %add3A_131, %mul3A_112 : i32
        %get3A_133 = arith.index_cast %scan3A_128 : i32 to index
        %get3A_134 = arith.index_cast %add3A_132 : i32 to index
        %get3A_135 = tpu.vector_load %arg7[%get3A_133, %get3A_134] {strides = array<i32>} : memref<25x1024xi32, #tpu.memory_space<vmem>>, vector<16xi32>,
        %reshape3A = vector.shape_cast %get3A_135 : vector<16xi32> to vector<16x1xi32>
        %gather3A = vector.shape_cast %reshape3A : vector<16x1xi32> to vector<16xi32>
        %gather3A_136 = tpu.dynamic_gather %get3A_3[%gather3A] in [0] : vector<16xf32>, vector<16xi32> -> vector<16xf32>
        %add3A_137 = arith.addf %scan3A_129, %gather3A_136 : vector<16xf32>
        %add3A_138 = arith.constant 128 : i32
        %add3A_139 = arith.addi %add3A_138, %mul3A_112 : i32
        %get3A_140 = arith.index_cast %scan3A_128 : i32 to index
        %get3A_141 = arith.index_cast %add3A_139 : i32 to index
        %get3A_142 = tpu.vector_load %arg7[%get3A_140, %get3A_141] {strides = array<i32>} : memref<25x1024xi32, #tpu.memory_space<vmem>>, vector<16xi32>,
        %reshape3A_143 = vector.shape_cast %get3A_142 : vector<16xi32> to vector<16x1xi32>
        %gather3A_144 = vector.shape_cast %reshape3A_143 : vector<16x1xi32> to vector<16xi32>
        %gather3A_145 = tpu.dynamic_gather %get3A_3[%gather3A_144] in [0] : vector<16xf32>, vector<16xi32> -> vector<16xf32>
        %add3A_146 = arith.addf %scan3A_130, %gather3A_145 : vector<16xf32>
        %add3A_147 = arith.constant 256 : i32
        %add3A_148 = arith.addi %add3A_147, %mul3A_112 : i32
        %get3A_149 = arith.index_cast %scan3A_128 : i32 to index
        %get3A_150 = arith.index_cast %add3A_148 : i32 to index
        %get3A_151 = tpu.vector_load %arg7[%get3A_149, %get3A_150] {strides = array<i32>} : memref<25x1024xi32, #tpu.memory_space<vmem>>, vector<16xi32>,
        %reshape3A_152 = vector.shape_cast %get3A_151 : vector<16xi32> to vector<16x1xi32>
        %gather3A_153 = vector.shape_cast %reshape3A_152 : vector<16x1xi32> to vector<16xi32>
        %gather3A_154 = tpu.dynamic_gather %get3A_3[%gather3A_153] in [0] : vector<16xf32>, vector<16xi32> -> vector<16xf32>
        %add3A_155 = arith.addf %add3A_137, %gather3A_154 : vector<16xf32>
        %add3A_156 = arith.constant 384 : i32
        %add3A_157 = arith.addi %add3A_156, %mul3A_112 : i32
        %get3A_158 = arith.index_cast %scan3A_128 : i32 to index
        %get3A_159 = arith.index_cast %add3A_157 : i32 to index
        %get3A_160 = tpu.vector_load %arg7[%get3A_158, %get3A_159] {strides = array<i32>} : memref<25x1024xi32, #tpu.memory_space<vmem>>, vector<16xi32>,
        %reshape3A_161 = vector.shape_cast %get3A_160 : vector<16xi32> to vector<16x1xi32>
        %gather3A_162 = vector.shape_cast %reshape3A_161 : vector<16x1xi32> to vector<16xi32>
        %gather3A_163 = tpu.dynamic_gather %get3A_3[%gather3A_162] in [0] : vector<16xf32>, vector<16xi32> -> vector<16xf32>
        %add3A_164 = arith.addf %add3A_146, %gather3A_163 : vector<16xf32>
        %add3A_165 = arith.constant 512 : i32
        %add3A_166 = arith.addi %add3A_165, %mul3A_112 : i32
        %get3A_167 = arith.index_cast %scan3A_128 : i32 to index
        %get3A_168 = arith.index_cast %add3A_166 : i32 to index
        %get3A_169 = tpu.vector_load %arg7[%get3A_167, %get3A_168] {strides = array<i32>} : memref<25x1024xi32, #tpu.memory_space<vmem>>, vector<16xi32>,
        %reshape3A_170 = vector.shape_cast %get3A_169 : vector<16xi32> to vector<16x1xi32>
        %gather3A_171 = vector.shape_cast %reshape3A_170 : vector<16x1xi32> to vector<16xi32>
        %gather3A_172 = tpu.dynamic_gather %get3A_3[%gather3A_171] in [0] : vector<16xf32>, vector<16xi32> -> vector<16xf32>
        %add3A_173 = arith.addf %add3A_155, %gather3A_172 : vector<16xf32>
        %add3A_174 = arith.constant 640 : i32
        %add3A_175 = arith.addi %add3A_174, %mul3A_112 : i32
        %get3A_176 = arith.index_cast %scan3A_128 : i32 to index
        %get3A_177 = arith.index_cast %add3A_175 : i32 to index
        %get3A_178 = tpu.vector_load %arg7[%get3A_176, %get3A_177] {strides = array<i32>} : memref<25x1024xi32, #tpu.memory_space<vmem>>, vector<16xi32>,
        %reshape3A_179 = vector.shape_cast %get3A_178 : vector<16xi32> to vector<16x1xi32>
        %gather3A_180 = vector.shape_cast %reshape3A_179 : vector<16x1xi32> to vector<16xi32>
        %gather3A_181 = tpu.dynamic_gather %get3A_3[%gather3A_180] in [0] : vector<16xf32>, vector<16xi32> -> vector<16xf32>
        %add3A_182 = arith.addf %add3A_164, %gather3A_181 : vector<16xf32>
        %add3A_183 = arith.constant 768 : i32
        %add3A_184 = arith.addi %add3A_183, %mul3A_112 : i32
        %get3A_185 = arith.index_cast %scan3A_128 : i32 to index
        %get3A_186 = arith.index_cast %add3A_184 : i32 to index
        %get3A_187 = tpu.vector_load %arg7[%get3A_185, %get3A_186] {strides = array<i32>} : memref<25x1024xi32, #tpu.memory_space<vmem>>, vector<16xi32>,
        %reshape3A_188 = vector.shape_cast %get3A_187 : vector<16xi32> to vector<16x1xi32>
        %gather3A_189 = vector.shape_cast %reshape3A_188 : vector<16x1xi32> to vector<16xi32>
        %gather3A_190 = tpu.dynamic_gather %get3A_3[%gather3A_189] in [0] : vector<16xf32>, vector<16xi32> -> vector<16xf32>
        %add3A_191 = arith.addf %add3A_173, %gather3A_190 : vector<16xf32>
        %add3A_192 = arith.constant 896 : i32
        %add3A_193 = arith.addi %add3A_192, %mul3A_112 : i32
        %get3A_194 = arith.index_cast %scan3A_128 : i32 to index
        %get3A_195 = arith.index_cast %add3A_193 : i32 to index
        %get3A_196 = tpu.vector_load %arg7[%get3A_194, %get3A_195] {strides = array<i32>} : memref<25x1024xi32, #tpu.memory_space<vmem>>, vector<16xi32>,
        %reshape3A_197 = vector.shape_cast %get3A_196 : vector<16xi32> to vector<16x1xi32>
        %gather3A_198 = vector.shape_cast %reshape3A_197 : vector<16x1xi32> to vector<16xi32>
        %gather3A_199 = tpu.dynamic_gather %get3A_3[%gather3A_198] in [0] : vector<16xf32>, vector<16xi32> -> vector<16xf32>
        %add3A_200 = arith.addf %add3A_182, %gather3A_199 : vector<16xf32>
        scf.yield %add3A_191, %add3A_200 : vector<16xf32>, vector<16xf32>
      }
      %scan3A_119 = arith.constant 25 : i32
      %add3A_120 = arith.constant 384 : i32
      %add3A_121 = arith.addi %add3A_120, %mul3A_112 : i32
      %add3A_122 = arith.addf %scan3A_118#0, %scan3A_118#1 : vector<16xf32>
      %get3A_123 = arith.index_cast %add3A_121 : i32 to index
      %get3A_124 = tpu.vector_load %arg8[%get3A_123] {strides = array<i32>} : memref<512xf32, #tpu.memory_space<vmem>>, vector<16xf32>,
      %add3A_125 = arith.addf %add3A_122, %get3A_124 : vector<16xf32>
      %swap3A = arith.index_cast %add3A_121 : i32 to index
      %swap3A_126 = tpu.vector_load %arg10[%swap3A] {strides = array<i32>} : memref<512xf32, #tpu.memory_space<vmem>>, vector<16xf32>,
      tpu.vector_store %arg10[%swap3A], %add3A_125 {strides = array<i32>} : memref<512xf32, #tpu.memory_space<vmem>>, vector<16xf32>,
      %scan3A_127 = arith.constant 0 : i32
      scf.yield %scan3A_127 : i32
    }
    %scan3A_108 = arith.constant 8 : i32
    "tpu.region"() ({
      %run_scoped3A = tpu.sem_alloc : memref<!tpu.dma_semaphore, #tpu.memory_space<semaphore_mem>>
      %dma_start3A_109 = tpu.memref_slice %arg5[%mul3A_2] : memref<16384xf32, #tpu.memory_space<hbm>> -> memref<512xf32, #tpu.memory_space<hbm>>
      %dma_start3A_110 = tpu.memref_slice %arg5[%mul3A_2] : memref<16384xf32, #tpu.memory_space<hbm>> -> memref<512xf32, #tpu.memory_space<hbm>>
      tpu.enqueue_dma source(%arg10 : memref<512xf32, #tpu.memory_space<vmem>>) target(%dma_start3A_110 : memref<512xf32, #tpu.memory_space<hbm>>) target_semaphore(%run_scoped3A : memref<!tpu.dma_semaphore, #tpu.memory_space<semaphore_mem>>)
      %dma_wait3A_111 = tpu.memref_slice %arg5[%mul3A_2] : memref<16384xf32, #tpu.memory_space<hbm>> -> memref<512xf32, #tpu.memory_space<hbm>>
      %dma_wait3A_112 = tpu.memref_slice %arg5[%mul3A_2] : memref<16384xf32, #tpu.memory_space<hbm>> -> memref<512xf32, #tpu.memory_space<hbm>>
      tpu.wait_dma2 semaphore(%run_scoped3A : memref<!tpu.dma_semaphore, #tpu.memory_space<semaphore_mem>>) src(%arg10 : memref<512xf32, #tpu.memory_space<vmem>>) dst(%dma_wait3A_112 : memref<512xf32, #tpu.memory_space<hbm>>)
      tpu.yield
    }) : () -> ()
    return
  }
}

</mosaic_0001>

<sc_bundles>
// kernel: _shift.3.cloned.1.call-start
scs
__scs_entry_jumppad:
0x0: {  	(pc) =	sbr.rel $0x88, $3  }
0x1: {  	(tag) =	ssettag $0x0;
	lr =	simm.s32 $0x1  }
0x2: {  	[smem:$0x3F9E] =	sst lr;
	_ =	strace $0xD0000000  }
0x3: {  	_ = 	snop  }
0x4: {  	_ = 	snop  }
0x5: {  	_ = 	snop  }
0x6: {  	_ = 	snop  }
0x7: {  	_ = 	snop  }
__scs_overlays_trampoline_lowered:
0x8: {  	[smem:$0x3FAD] =	sst s0  }
0x9: {  	[smem:$0x3FAE] =	sst s1  }
0xa: {  	[smem:$0x3FAF] =	sst s2  }
0xb: {  	[smem:$0x3FB0] =	sst s3  }
0xc: {  	[smem:$0x3FB1] =	sst s4  }
0xd: {  	[smem:$0x3FB2] =	sst s5  }
0xe: {  	[smem:$0x3FB3] =	sst s6  }
0xf: {  	[smem:$0x3FB4] =	sst s7  }
0x10: {  	[smem:$0x3FB5] =	sst s8  }
0x11: {  	[smem:$0x3FB6] =	sst s9;
	s0 =	simm.s32 @!p0 $0x0  }
0x12: {  	s1 =	sld [smem:$0x3F9C];
	s0 =	simm.s32 @p0 $0x1  }
0x13: {  	[smem:$0x3FB7] =	sst s0;
	s0 =	simm.s32 @!p1 $0x0  }
0x14: {  	s2 =	sld [smem:$0x3F9B];
	s0 =	simm.s32 @p1 $0x1  }
0x15: {  	[smem:$0x3FB8] =	sst s0;
	s0 =	simm.s32 @!p2 $0x0  }
0x16: {  	s3 =	sld [smem:$0x3FDB];
	s0 =	simm.s32 @p2 $0x1  }
0x17: {  	s4 =	simm.s32 $0x1BF5;
	[smem:$0x3FBA] =	sst s0  }
0x18: {  	s0 =	sld [smem:$0x3F9D];
	_ =	swait.ge [sflag:s4], $0x0  }
0x19: {  	s7 =	sld [smem:$0x3F9E]  }
0x1a: {  	s8 =	sadd.s32 $0xFFFFE003, lr  }
0x1b: {  	s9 =	sadd.s32 $0xFFFFFEF7, lr;
	s5 =	simm.s32 $0xFFFFFFFF;
	p2 =	slt.u32 s8, $0xFFFFF086  }
0x1c: {  	p1 =	slt.u32 s9, $0xF7A;
	s5 =	simm.s32 @!p2 $0x0  }
0x1d: {  	s5 =	simm.s32 @p1 $0x1;
	p0 =	seq.s32 s7, s2  }
0x1e: {  	s7 =	smul.u32 @!p0 $0xF7A, s2;
	p2 =	seq.s32 @!p0 s5, $0x0  }
0x1f: {  	s9 =	smul.u32 $0xF7A, s1;
	s8 =	simm.s32 @!p0 $0x1BF5;
	p2 =	por !p2, p0  }
0x20: {  	[sflag:s8] =	ssyncset.s32 @!p0 $0xFFFFF086;
	s6 =	sadd.s32 @!p0 s3, s7;
	s7 =	simm.s32 @!p0 $0x108  }
0x21: {  	s3 =	sadd.s32 s3, s9;
	s6 =	sadd.s32 @!p0 $0x88, s6;
	s7 =	simm.s32 @p2 $0x1082  }
0x22: {  	[simem:s7], [sflag:s8] =	dma.local @!p0 [hbm:s6], $0xF7A  }
0x23: {  	s9 =	sor.u32 $0xD0000000, s2;
	s6 =	simm.s32 $0x108;
	_ =	swait.ge @!p0 [sflag:s8], $0x0  }
0x24: {  	s3 =	sadd.s32 $0x88, s3;
	s6 =	simm.s32 @!p1 $0x1082;
	[sflag:s4] =	ssyncset.s32 $0xFFFFF086  }
0x25: {  	[simem:s6], [sflag:s4] =	dma.local [hbm:s3], $0xF7A  }
0x26: {  	[smem:$0x3F9E] =	sst s1;
	(tag) =	ssettag s2;
	_ =	strace s9  }
0x27: {  	s1 =	sld [smem:$0x3FAE]  }
0x28: {  	s2 =	sld [smem:$0x3FAF]  }
0x29: {  	s4 =	sld [smem:$0x3FB1]  }
0x2a: {  	p0 =	seq.s32 s5, $0x0;
	s5 =	sld [smem:$0x3FB2]  }
0x2b: {  	s6 =	sld [smem:$0x3FB3]  }
0x2c: {  	s7 =	sld [smem:$0x3FB4]  }
0x2d: {  	s3 =	simm.s32 $0x108;
	s8 =	sld [smem:$0x3FB5]  }
0x2e: {  	s3 =	simm.s32 @!p0 $0x1082;
	s9 =	sld [smem:$0x3FB6]  }
0x2f: {  	lr =	sadd.s32 s0, s3;
	s0 =	sld [smem:$0x3FAD]  }
0x30: {  	s3 =	sld [smem:$0x3FB0]  }
0x31: {  	[smem:$0x3FB9] =	sst s10  }
0x32: {  	s10 =	sld [smem:$0x3FB7];
	_ =	sdelay $0x3  }
0x33: {  	p0 =	seq.s32 s10, $0x1;
	s10 =	sld [smem:$0x3FB9];
	_ =	sdelay $0x3  }
0x34: {  	[smem:$0x3FB9] =	sst s10  }
0x35: {  	s10 =	sld [smem:$0x3FB8];
	_ =	sdelay $0x3  }
0x36: {  	p1 =	seq.s32 s10, $0x1;
	s10 =	sld [smem:$0x3FB9];
	_ =	sdelay $0x3  }
0x37: {  	[smem:$0x3FB9] =	sst s10  }
0x38: {  	s10 =	sld [smem:$0x3FBA]  }
0x39: {  	_ = 	snop;
	(pc) =	sbr.ind lr, $3  }
0x3a: {  	_ = 	snop  }
0x3b: {  	_ = 	snop  }
0x3c: {  	p2 =	seq.s32 s10, $0x1;
	s10 =	sld [smem:$0x3FB9]  }
0x3d: {  	_ =	shalt  }
0x3e: {  	_ =	shalt  }
0x3f: {  	_ =	shalt  }
0x40: {  	_ =	shalt  }
0x41: {  	_ =	shalt  }
0x42: {  	_ =	shalt  }
0x43: {  	_ =	shalt  }
0x44: {  	_ =	shalt  }
0x45: {  	_ =	shalt  }
0x46: {  	_ =	shalt  }
0x47: {  	_ =	shalt  }
0x48: {  	_ =	shalt  }
0x49: {  	_ =	shalt  }
0x4a: {  	_ =	shalt  }
0x4b: {  	_ =	shalt  }
0x4c: {  	_ =	shalt  }
0x4d: {  	_ =	shalt  }
0x4e: {  	_ =	shalt  }
0x4f: {  	_ =	shalt  }
0x50: {  	_ =	shalt  }
0x51: {  	_ =	shalt  }
0x52: {  	_ =	shalt  }
0x53: {  	_ =	shalt  }
0x54: {  	_ =	shalt  }
0x55: {  	_ =	shalt  }
0x56: {  	_ =	shalt  }
0x57: {  	_ =	shalt  }
0x58: {  	_ =	shalt  }
0x59: {  	_ =	shalt  }
0x5a: {  	_ =	shalt  }
0x5b: {  	_ =	shalt  }
0x5c: {  	_ =	shalt  }
0x5d: {  	_ =	shalt  }
0x5e: {  	_ =	shalt  }
0x5f: {  	_ =	shalt  }
0x60: {  	_ =	shalt  }
0x61: {  	_ =	shalt  }
0x62: {  	_ =	shalt  }
0x63: {  	_ =	shalt  }
0x64: {  	_ =	shalt  }
0x65: {  	_ =	shalt  }
0x66: {  	_ =	shalt  }
0x67: {  	_ =	shalt  }
0x68: {  	_ =	shalt  }
0x69: {  	_ =	shalt  }
0x6a: {  	_ =	shalt  }
0x6b: {  	_ =	shalt  }
0x6c: {  	_ =	shalt  }
0x6d: {  	_ =	shalt  }
0x6e: {  	_ =	shalt  }
0x6f: {  	_ =	shalt  }
0x70: {  	_ =	shalt  }
0x71: {  	_ =	shalt  }
0x72: {  	_ =	shalt  }
0x73: {  	_ =	shalt  }
0x74: {  	_ =	shalt  }
0x75: {  	_ =	shalt  }
0x76: {  	_ =	shalt  }
0x77: {  	_ =	shalt  }
0x78: {  	_ =	shalt  }
0x79: {  	_ =	shalt  }
0x7a: {  	_ =	shalt  }
0x7b: {  	_ =	shalt  }
0x7c: {  	_ =	shalt  }
0x7d: {  	_ =	shalt  }
0x7e: {  	_ =	shalt  }
0x7f: {  	_ =	shalt  }
0x80: {  	_ =	shalt  }
0x81: {  	_ =	shalt  }
0x82: {  	_ =	shalt  }
0x83: {  	_ =	shalt  }
0x84: {  	_ =	shalt  }
0x85: {  	_ =	shalt  }
0x86: {  	_ =	shalt  }
0x87: {  	_ =	shalt  }
.Lfunc_end0:
.L_simem_size_0:
called_computation_lowered:
.L_overlay_start_0:
0x88: {  	s2 =	sld [smem:$0x3FD9]  }
0x89: {  	s3 =	sld [smem:$0x3FFE];
	_ =	sdelay $0x1  }
0x8a: {  	s1 =	srdreg.scid  }
0x8b: {  	s0 =	sand.u32 $0x1, s1  }
0x8c: {  	s17 =	sshll.u32 s0, $0xA;
	s2 =	sadd.s32 s3, s2  }
0x8d: {  	s2 =	sadd.s32 s2, s17  }
0x8e: {  	[smem:$0x3FC5] =	sst s2  }
0x8f: {  	_ = 	snop  }
0x90: {  	s2 =	sld [smem:$0x3FC8]  }
0x91: {  	s18 =	sld [smem:$0x3FC7]  }
0x92: {  	s4 =	sld [smem:$0x3FD0];
	(tm) =	ssettm $0x1  }
0x93: {  	s5 =	sld [smem:$0x3FFB];
	_ =	sdelay $0x3  }
0x94: {  	_ =	strace s5  }
0x95: {  	s5 =	sld [smem:$0x3FFC];
	_ =	sdelay $0x3  }
0x96: {  	_ =	strace s5  }
0x97: {  	s5 =	sld [smem:$0x3FFD];
	_ =	sdelay $0x3  }
0x98: {  	_ =	strace s5  }
0x99: {  	_ =	strace $0x8FFFFFFF  }
0x9a: {  	s19 =	sld [smem:$0x3FDB];
	_ =	sdelay $0x1  }
0x9b: {  	s6 =	simm.s32 $_scs_section_size  }
0x9c: {  	s7 =	simm.s32 $_size__tile_overlayer_lowered;
	s8 =	simm.s32 $_tile_overlayer_lowered  }
0x9d: {  	s22 =	simm.s32 $0x1BFF;
	s21 =	sshll.u32 s8, $0x1;
	s5 =	sadd.s32 s6, s19  }
0x9e: {  	s9 =	simm.s32 $0x0;
	s20 =	sshll.u32 s7, $0x1;
	s7 =	sadd.s32 s21, s5  }
0x9f: {  	[timem:s9], [sflag:s22] =	dma.local [hbm:s7], s20  }
0xa0: {  	_ =	swait.ge [sflag:s22], s20  }
0xa1: {  	s6 =	ssub.s32 $0x0, s20;
	[sflag:s22] =	ssyncset.done $0x0  }
0xa2: {  	[sflag:s22] =	ssyncadd.s32 s6;
	_ =	sdelay $0x1  }
0xa3: {  	s23 =	simm.s32 $0x1B8B  }
0xa4: {  	_ =	swait.ge [sflag:s23], $0x1  }
0xa5: {  	[sflag:s23] =	ssyncset.done $0x0  }
0xa6: {  	s25 =	simm.s32 $0x1B8E;
	s24 =	sld [smem:$0x3FFE];
	[sflag:s23] =	ssyncadd.s32 $0xFFFFFFFF  }
0xa7: {  	s26 =	simm.s32 $execute0_lowered;
	[smem:$0x3FD2] =	sst s25  }
0xa8: {  	s7 =	sshll.u32 s26, $0x1;
	_ =	strace $0x80000046;
	[dreg:$0x1] =	wrdreg $0xFFFFFFFF  }
0xa9: {  	s28 =	simm.s32 $_size_execute0_lowered;
	s5 =	sadd.s32 s5, s7;
	[dreg:$0x0] =	wrdreg $0x0  }
0xaa: {  	s7 =	sshll.u32 s28, $0x1;
	[dreg:$0x2] =	wrdreg s5  }
0xab: {  	[dreg:$0x3] =	wrdreg s7  }
0xac: {  	[dreg:$0x4] =	wrdreg $0xC0  }
0xad: {  	_ =	task [dreg:s9], $0x5FFFF  }
0xae: {  	[dreg:$0x1] =	wrdreg $0xFFFFFFFF  }
0xaf: {  	[dreg:$0x0] =	wrdreg $0x60  }
0xb0: {  	[dreg:$0x2] =	wrdreg s24  }
0xb1: {  	[dreg:$0x3] =	wrdreg s2  }
0xb2: {  	[dreg:$0x4] =	wrdreg s18  }
0xb3: {  	[dreg:$0x5] =	wrdreg s4  }
0xb4: {  	[dreg:$0x6] =	wrdreg $0x9  }
0xb5: {  	_ =	task.clear_ibuf [dreg:s9], $0x7FFFF;
	_ =	strace $0x90000046  }
0xb6: {  	s29 =	simm.s32 $0x9;
	_ =	strace $0x80000048  }
0xb7: {  	_ =	swait.ge [sflag:s29], $0x1  }
0xb8: {  	[sflag:s29] =	ssyncadd.s32 $0xFFFFFFFF  }
0xb9: {  	_ =	strace $0x90000048  }
0xba: {  	_ =	sfence  }
0xbb: {  	s30 =	sld [smem:$0x0];
	_ =	sdelay $0x2  }
0xbc: {  	s31 =	sshll.u32 s1, $0xD;
	s1 =	sshrl.u32 s1, $0x2  }
0xbd: {  	s3 =	sand.u32 $0x4000, s31;
	s1 =	sadd.s32 s1, s30  }
0xbe: {  	s0 =	sor.u32 s3, s0;
	s1 =	sshll.u32 s1, $0x11  }
0xbf: {  	s0 =	sor.u32 s1, s0  }
0xc0: {  	s0 =	sadd.s32 $0x8F2B, s0  }
0xc1: {  	[sflag:s0] =	ssyncadd.remote.s32 $0x1  }
0xc2: {  	_ =	sfence.sel $0xFFFF  }
0xc3: {  	[dreg:$0x0] =	wrdreg $0xFFFFFFFF;
	(pc) =	sbr.abs _section_cstart, $3  }
0xc4: {  	[dreg:$0x1] =	wrdreg $0xFFFFFFFF  }
0xc5: {  	_ =	task.clear_ibuf [dreg:s9], $0x2FFFF;
	_ =	strace $0x9FFFFFFF  }
0xc6: {  	(tm) =	ssettm $0x7FFFFFFF  }
0xc7: {  	_ =	shalt  }
tec
execute0_lowered:
.L_overlay_start_1:
0x0: {  	(tag) =	ssettag $0x1  }
0x1: {  	s4 =	rddreg [dreg:$0x0]  }
0x2: {  	s5 =	rddreg [dreg:$0x1]  }
0x3: {  	s2 =	rddreg [dreg:$0x2]  }
0x4: {  	s9 =	rddreg [dreg:$0x3]  }
0x5: {  	s0 =	rddreg [dreg:$0x4];
	s6 =	srdreg.scid  }
0x6: {  	s1 =	stileid.u32;
	s3 =	simm.s32 $0x0;
	s12 =	simm.s32 $0x3  }
0x7: {  	s13 =	simm.s32 $0xCA00;
	s14 =	simm.s32 $0x400;
	s15 =	simm.s32 $0x20000  }
0x8: {  	s16 =	simm.s32 $0x6400;
	s17 =	simm.s32 $0x1;
	s18 =	simm.s32 $0x2  }
0x9: {  	s19 =	simm.s32 $0xCA10;
	s6 =	sand.u32 $0x1, s6;
	s7 =	sshll.u32 s1, $0x1  }
0xa: {  	s20 =	simm.s32 $0x0;
	[smem:$0x7FF] =	sst s3;
	s7 =	sor.u32 s6, s7  }
0xb: {  	_ =	strace $0x80000047;
	s6 =	ssub.s32 $0x2, s6;
	s8 =	sshll.u32 s7, $0x9  }
0xc: {  	s31 =	sshrl.u32 s6, $0x1;
	s10 =	sshll.u32 s7, $0x6;
	s8 =	sadd.s32 s8, s4  }
0xd: {  	s11 =	ssub.s32 s6, s31;
	s4 =	sadd.s32 s5, s10;
	s9 =	sadd.s32 s9, s10  }
0xe: {  	s5 =	sadd.s32 $0x400, s8;
	s6 =	sadd.s32 $0x480, s8;
	s7 =	sadd.s32 $0x500, s8  }
0xf: {  	s8 =	sadd.s32 $0x580, s8;
	s10 =	smax.u32 s11, $0x1;
	s11 =	simm.s32 $0xC800  }
.LBB2_1:
0x10: {  	[tilespmem:s11], [sflag:$0x3] =	stream.linear.gather [hbm4b:s4+s3], $0x200, $0x38;
	[tilespmem:$0xCC10] =	vst v63  }
0x11: {  	_ =	swait.ge [sflag:s12], $0x200  }
0x12: {  	[sflag:s12] =	ssyncset.done $0x0  }
0x13: {  	[sflag:s12] =	ssyncadd.s32 $0xFFFFFE00  }
0x14: {  	[tilespmem:s13], [sflag:$0x3] =	stream.linear.gather [hbm4b:s2+s3], $0x7, $0x38;
	[tilespmem:$0xCC10] =	vst v63  }
0x15: {  	_ =	swait.ge [sflag:s12], $0x7  }
0x16: {  	[sflag:s12] =	ssyncset.done $0x0  }
0x17: {  	[sflag:s12] =	ssyncadd.s32 $0xFFFFFFF9  }
0x18: {  	v0 =	vld [tilespmem:$0xCA00];
	[tilespmem:s3], [sflag:$0x1] =	stream.strided.gather [hbm4b:s5+s14], $0x6400, s15, s14, $0x38  }
0x19: {  	_ = 	snop  }
0x1a: {  	[tilespmem:s16], [sflag:$0x2] =	stream.strided.gather [hbm4b:s6+s14], $0x6400, s15, s14, $0x38;
	[tilespmem:$0xCC10] =	vst v63  }
0x1b: {  	_ =	swait.ge [sflag:s17], $0x6400  }
0x1c: {  	[sflag:s17] =	ssyncset.done $0x0  }
0x1d: {  	s21 =	simm.s32 $0x200;
	s22 =	simm.s32 $0x0;
	[sflag:s17] =	ssyncadd.s32 $0xFFFF9C00  }
.LBB2_2:
0x1e: {  	v1 =	vmov s21;
	_ =	sdelay $0x3  }
0x1f: {  	s23 =	simm.s32 $0x0  }
0x20: {  	v3 =	vld.idx.msk [tilespmem:v1+s23+$0xFFFFFE00 ss:$0x1], $0xffff  }
0x21: {  	v6 =	vld.idx.msk [tilespmem:v1+s23+$0xFFFFFE80 ss:$0x1], $0xffff  }
0x22: {  	v9 =	vld.idx.msk [tilespmem:v1+s23+$0xFFFFFF00 ss:$0x1], $0xffff  }
0x23: {  	v5 =	vld.idx.msk [tilespmem:v1+s23+$0xFFFFFF80 ss:$0x1], $0xffff  }
0x24: {  	v7 =	vld.idx.msk [tilespmem:v1+s23+$0x0 ss:$0x1], $0xffff  }
0x25: {  	v2 =	vld.idx.msk [tilespmem:v1+s23+$0x80 ss:$0x1], $0xffff  }
0x26: {  	v4 =	vld.idx.msk [tilespmem:v1+s23+$0x100 ss:$0x1], $0xffff  }
0x27: {  	s24 =	simm.s32 $0x400;
	v8 =	vperm.xlane v0, v3;
	v3 =	vld.idx.msk [tilespmem:v1+s23+$0x180 ss:$0x1], $0xffff;
	v11 =	vperm.xlane v0, v6  }
0x28: {  	v10 =	vimm.f32 $0.0e+00;
	s25 =	simm.s32 $0x2000;
	v12 =	vimm.f32 $0.0e+00;
	s23 =	sshll.u32 s22, $0x4;
	v6 =	vld.idx.msk [tilespmem:v1+s24+$0xFFFFFE00 ss:$0x1], $0xffff;
	v9 =	vperm.xlane v0, v9  }
.LBB2_3:
0x29: {  	p0 =	sne.s32 s25, $0x18000;
	v13 =	vld.idx.msk [tilespmem:v1+s24+$0xFFFFFE80 ss:$0x1], $0xffff;
	v8 =	vadd.f32 v8, v10;
	v10 =	vadd.f32 v11, v12;
	v11 =	vperm.xlane v0, v5  }
0x2a: {  	v12 =	vperm.xlane v0, v7;
	v14 =	vld.idx.msk [tilespmem:v1+s24+$0xFFFFFF00 ss:$0x1], $0xffff  }
0x2b: {  	v5 =	vld.idx.msk [tilespmem:v1+s24+$0xFFFFFF80 ss:$0x1], $0xffff;
	v8 =	vadd.f32 v9, v8;
	v9 =	vadd.f32 v11, v10;
	v10 =	vperm.xlane v0, v2  }
.Ltmp0:
0x2c: {  	v15 =	vperm.xlane v0, v4;
	v7 =	vld.idx.msk [tilespmem:v1+s24+$0x0 ss:$0x1], $0xffff;
	(pc) =	sbr.rel @p0 .LBB2_3-.Ltmp0, $4  }
0x2d: {  	v16 =	vperm.xlane v0, v3;
	v2 =	vld.idx.msk [tilespmem:v1+s24+$0x80 ss:$0x1], $0xffff;
	v12 =	vadd.f32 v12, v8;
	v9 =	vadd.f32 v10, v9  }
0x2e: {  	v8 =	vperm.xlane v0, v6;
	v4 =	vld.idx.msk [tilespmem:v1+s24+$0x100 ss:$0x1], $0xffff  }
0x2f: {  	v11 =	vperm.xlane v0, v13;
	v3 =	vld.idx.msk [tilespmem:v1+s24+$0x180 ss:$0x1], $0xffff;
	s24 =	sshra.s32 s25, $0x2;
	v10 =	vadd.f32 v15, v12;
	v12 =	vadd.f32 v16, v9  }
0x30: {  	s25 =	sadd.s32 $0x1000, s25;
	v9 =	vperm.xlane v0, v14;
	v6 =	vld.idx.msk [tilespmem:v1+s24+$0xFFFFFE00 ss:$0x1], $0xffff  }
0x31: {  	_ =	sdelay $0x2  }
0x32: {  	v8 =	vadd.f32 v8, v10;
	v52 =	vadd.f32 v11, v12;
	v5 =	vperm.xlane v0, v5  }
0x33: {  	v53 =	vld.idx.msk [tilespmem:v1+s24+$0xFFFFFE80 ss:$0x1], $0xffff;
	v7 =	vperm.xlane v0, v7  }
0x34: {  	v55 =	vld.idx.msk [tilespmem:v1+s24+$0xFFFFFF80 ss:$0x1], $0xffff;
	v2 =	vperm.xlane v0, v2;
	v8 =	vadd.f32 v9, v8;
	v5 =	vadd.f32 v5, v52  }
0x35: {  	v54 =	vld.idx.msk [tilespmem:v1+s24+$0xFFFFFF00 ss:$0x1], $0xffff;
	v4 =	vperm.xlane v0, v4  }
0x36: {  	v56 =	vld.idx.msk [tilespmem:v1+s24+$0x0 ss:$0x1], $0xffff;
	v3 =	vperm.xlane v0, v3;
	v7 =	vadd.f32 v7, v8;
	v2 =	vadd.f32 v2, v5  }
0x37: {  	v57 =	vld.idx.msk [tilespmem:v1+s24+$0x80 ss:$0x1], $0xffff;
	v6 =	vperm.xlane v0, v6  }
0x38: {  	v58 =	vld.idx.msk [tilespmem:v1+s24+$0x100 ss:$0x1], $0xffff;
	v11 =	vperm.xlane v0, v53;
	v4 =	vadd.f32 v4, v7;
	v2 =	vadd.f32 v3, v2  }
0x39: {  	v1 =	vld.idx.msk [tilespmem:v1+s24+$0x180 ss:$0x1], $0xffff;
	v59 =	vperm.xlane v0, v55  }
0x3a: {  	v3 =	vperm.xlane v0, v54;
	v4 =	vadd.f32 v6, v4;
	v2 =	vadd.f32 v11, v2  }
0x3b: {  	v60 =	vperm.xlane v0, v56  }
0x3c: {  	v61 =	vperm.xlane v0, v57;
	v3 =	vadd.f32 v3, v4;
	v2 =	vadd.f32 v59, v2  }
0x3d: {  	v62 =	vperm.xlane v0, v58  }
0x3e: {  	v1 =	vperm.xlane v0, v1;
	v3 =	vadd.f32 v60, v3;
	v2 =	vadd.f32 v61, v2  }
0x3f: {  	v63 =	vld [tilespmem:s23+$0xC800]  }
0x40: {  	s22 =	sadd.s32 $0x1, s22;
	v3 =	vadd.f32 v62, v3;
	v1 =	vadd.f32 v1, v2  }
0x41: {  	p0 =	sne.s32 s22, $0x8  }
.Ltmp1:
0x42: {  	v1 =	vadd.f32 v1, v3;
	(pc) =	sbr.rel @p0 .LBB2_2-.Ltmp1, $3  }
0x43: {  	_ = 	snop  }
0x44: {  	v1 =	vadd.f32 v63, v1;
	_ =	sdelay $0x1  }
0x45: {  	s21 =	sadd.s32 $0x10, s21;
	[tilespmem:s23+$0xCA10] =	vst v1  }
0x46: {  	s21 =	simm.s32 $0x0  }
0x47: {  	[tilespmem:s21], [sflag:$0x1] =	stream.strided.gather [hbm4b:s7+s14], $0x6400, s15, s14, $0x38;
	[tilespmem:$0xCC10] =	vst v63  }
0x48: {  	_ =	swait.ge [sflag:s18], $0x6400  }
0x49: {  	[sflag:s18] =	ssyncset.done $0x0  }
0x4a: {  	s22 =	simm.s32 $0x6600;
	[sflag:s18] =	ssyncadd.s32 $0xFFFF9C00  }
.LBB2_6:
0x4b: {  	v1 =	vmov s22;
	_ =	sdelay $0x3  }
0x4c: {  	s23 =	simm.s32 $0x0  }
0x4d: {  	v3 =	vld.idx.msk [tilespmem:v1+s23+$0xFFFFFE00 ss:$0x1], $0xffff  }
0x4e: {  	v6 =	vld.idx.msk [tilespmem:v1+s23+$0xFFFFFE80 ss:$0x1], $0xffff  }
0x4f: {  	v9 =	vld.idx.msk [tilespmem:v1+s23+$0xFFFFFF00 ss:$0x1], $0xffff  }
0x50: {  	v5 =	vld.idx.msk [tilespmem:v1+s23+$0xFFFFFF80 ss:$0x1], $0xffff  }
0x51: {  	v7 =	vld.idx.msk [tilespmem:v1+s23+$0x0 ss:$0x1], $0xffff  }
0x52: {  	v2 =	vld.idx.msk [tilespmem:v1+s23+$0x80 ss:$0x1], $0xffff  }
0x53: {  	v4 =	vld.idx.msk [tilespmem:v1+s23+$0x100 ss:$0x1], $0xffff  }
0x54: {  	s24 =	simm.s32 $0x400;
	v8 =	vperm.xlane v0, v3;
	v3 =	vld.idx.msk [tilespmem:v1+s23+$0x180 ss:$0x1], $0xffff;
	v11 =	vperm.xlane v0, v6  }
0x55: {  	v10 =	vimm.f32 $0.0e+00;
	s25 =	simm.s32 $0x2000;
	v12 =	vimm.f32 $0.0e+00;
	s23 =	sshll.u32 s21, $0x4;
	v6 =	vld.idx.msk [tilespmem:v1+s24+$0xFFFFFE00 ss:$0x1], $0xffff;
	v9 =	vperm.xlane v0, v9  }
.LBB2_7:
0x56: {  	p0 =	sne.s32 s25, $0x18000;
	v13 =	vld.idx.msk [tilespmem:v1+s24+$0xFFFFFE80 ss:$0x1], $0xffff;
	v8 =	vadd.f32 v8, v10;
	v10 =	vadd.f32 v11, v12;
	v11 =	vperm.xlane v0, v5  }
0x57: {  	v12 =	vperm.xlane v0, v7;
	v14 =	vld.idx.msk [tilespmem:v1+s24+$0xFFFFFF00 ss:$0x1], $0xffff  }
0x58: {  	v5 =	vld.idx.msk [tilespmem:v1+s24+$0xFFFFFF80 ss:$0x1], $0xffff;
	v8 =	vadd.f32 v9, v8;
	v9 =	vadd.f32 v11, v10;
	v10 =	vperm.xlane v0, v2  }
.Ltmp2:
0x59: {  	v15 =	vperm.xlane v0, v4;
	v7 =	vld.idx.msk [tilespmem:v1+s24+$0x0 ss:$0x1], $0xffff;
	(pc) =	sbr.rel @p0 .LBB2_7-.Ltmp2, $4  }
0x5a: {  	v16 =	vperm.xlane v0, v3;
	v2 =	vld.idx.msk [tilespmem:v1+s24+$0x80 ss:$0x1], $0xffff;
	v12 =	vadd.f32 v12, v8;
	v9 =	vadd.f32 v10, v9  }
0x5b: {  	v8 =	vperm.xlane v0, v6;
	v4 =	vld.idx.msk [tilespmem:v1+s24+$0x100 ss:$0x1], $0xffff  }
0x5c: {  	v11 =	vperm.xlane v0, v13;
	v3 =	vld.idx.msk [tilespmem:v1+s24+$0x180 ss:$0x1], $0xffff;
	s24 =	sshra.s32 s25, $0x2;
	v10 =	vadd.f32 v15, v12;
	v12 =	vadd.f32 v16, v9  }
0x5d: {  	s25 =	sadd.s32 $0x1000, s25;
	v9 =	vperm.xlane v0, v14;
	v6 =	vld.idx.msk [tilespmem:v1+s24+$0xFFFFFE00 ss:$0x1], $0xffff  }
0x5e: {  	_ =	sdelay $0x2  }
0x5f: {  	v8 =	vadd.f32 v8, v10;
	v52 =	vadd.f32 v11, v12;
	v5 =	vperm.xlane v0, v5  }
0x60: {  	v53 =	vld.idx.msk [tilespmem:v1+s24+$0xFFFFFE80 ss:$0x1], $0xffff;
	v7 =	vperm.xlane v0, v7  }
0x61: {  	v55 =	vld.idx.msk [tilespmem:v1+s24+$0xFFFFFF80 ss:$0x1], $0xffff;
	v2 =	vperm.xlane v0, v2;
	v8 =	vadd.f32 v9, v8;
	v5 =	vadd.f32 v5, v52  }
0x62: {  	v54 =	vld.idx.msk [tilespmem:v1+s24+$0xFFFFFF00 ss:$0x1], $0xffff;
	v4 =	vperm.xlane v0, v4  }
0x63: {  	v56 =	vld.idx.msk [tilespmem:v1+s24+$0x0 ss:$0x1], $0xffff;
	v3 =	vperm.xlane v0, v3;
	v7 =	vadd.f32 v7, v8;
	v2 =	vadd.f32 v2, v5  }
0x64: {  	v57 =	vld.idx.msk [tilespmem:v1+s24+$0x80 ss:$0x1], $0xffff;
	v6 =	vperm.xlane v0, v6  }
0x65: {  	v58 =	vld.idx.msk [tilespmem:v1+s24+$0x100 ss:$0x1], $0xffff;
	v11 =	vperm.xlane v0, v53;
	v4 =	vadd.f32 v4, v7;
	v2 =	vadd.f32 v3, v2  }
0x66: {  	v1 =	vld.idx.msk [tilespmem:v1+s24+$0x180 ss:$0x1], $0xffff;
	v59 =	vperm.xlane v0, v55  }
0x67: {  	v3 =	vperm.xlane v0, v54;
	v4 =	vadd.f32 v6, v4;
	v2 =	vadd.f32 v11, v2  }
0x68: {  	v60 =	vperm.xlane v0, v56  }
0x69: {  	v61 =	vperm.xlane v0, v57;
	v3 =	vadd.f32 v3, v4;
	v2 =	vadd.f32 v59, v2  }
0x6a: {  	v62 =	vperm.xlane v0, v58  }
0x6b: {  	v1 =	vperm.xlane v0, v1;
	v3 =	vadd.f32 v60, v3;
	v2 =	vadd.f32 v61, v2  }
0x6c: {  	v63 =	vld [tilespmem:s23+$0xC880]  }
0x6d: {  	s21 =	sadd.s32 $0x1, s21;
	v3 =	vadd.f32 v62, v3;
	v1 =	vadd.f32 v1, v2  }
0x6e: {  	p0 =	sne.s32 s21, $0x8  }
.Ltmp3:
0x6f: {  	v1 =	vadd.f32 v1, v3;
	(pc) =	sbr.rel @p0 .LBB2_6-.Ltmp3, $3  }
0x70: {  	_ = 	snop  }
0x71: {  	v1 =	vadd.f32 v63, v1;
	_ =	sdelay $0x1  }
0x72: {  	s22 =	sadd.s32 $0x10, s22;
	[tilespmem:s23+$0xCA90] =	vst v1  }
0x73: {  	[tilespmem:s16], [sflag:$0x2] =	stream.strided.gather [hbm4b:s8+s14], $0x6400, s15, s14, $0x38;
	[tilespmem:$0xCC10] =	vst v63  }
0x74: {  	_ =	swait.ge [sflag:s17], $0x6400  }
0x75: {  	[sflag:s17] =	ssyncset.done $0x0  }
0x76: {  	s21 =	simm.s32 $0x0;
	s22 =	simm.s32 $0x200;
	[sflag:s17] =	ssyncadd.s32 $0xFFFF9C00  }
.LBB2_10:
0x77: {  	v1 =	vmov s22;
	_ =	sdelay $0x3  }
0x78: {  	s23 =	simm.s32 $0x0  }
0x79: {  	v3 =	vld.idx.msk [tilespmem:v1+s23+$0xFFFFFE00 ss:$0x1], $0xffff  }
0x7a: {  	v6 =	vld.idx.msk [tilespmem:v1+s23+$0xFFFFFE80 ss:$0x1], $0xffff  }
0x7b: {  	v9 =	vld.idx.msk [tilespmem:v1+s23+$0xFFFFFF00 ss:$0x1], $0xffff  }
0x7c: {  	v5 =	vld.idx.msk [tilespmem:v1+s23+$0xFFFFFF80 ss:$0x1], $0xffff  }
0x7d: {  	v7 =	vld.idx.msk [tilespmem:v1+s23+$0x0 ss:$0x1], $0xffff  }
0x7e: {  	v2 =	vld.idx.msk [tilespmem:v1+s23+$0x80 ss:$0x1], $0xffff  }
0x7f: {  	v4 =	vld.idx.msk [tilespmem:v1+s23+$0x100 ss:$0x1], $0xffff  }
0x80: {  	s24 =	simm.s32 $0x400;
	v8 =	vperm.xlane v0, v3;
	v3 =	vld.idx.msk [tilespmem:v1+s23+$0x180 ss:$0x1], $0xffff;
	v11 =	vperm.xlane v0, v6  }
0x81: {  	v10 =	vimm.f32 $0.0e+00;
	s25 =	simm.s32 $0x2000;
	v12 =	vimm.f32 $0.0e+00;
	s23 =	sshll.u32 s21, $0x4;
	v6 =	vld.idx.msk [tilespmem:v1+s24+$0xFFFFFE00 ss:$0x1], $0xffff;
	v9 =	vperm.xlane v0, v9  }
.LBB2_11:
0x82: {  	p0 =	sne.s32 s25, $0x18000;
	v13 =	vld.idx.msk [tilespmem:v1+s24+$0xFFFFFE80 ss:$0x1], $0xffff;
	v8 =	vadd.f32 v8, v10;
	v10 =	vadd.f32 v11, v12;
	v11 =	vperm.xlane v0, v5  }
0x83: {  	v12 =	vperm.xlane v0, v7;
	v14 =	vld.idx.msk [tilespmem:v1+s24+$0xFFFFFF00 ss:$0x1], $0xffff  }
0x84: {  	v5 =	vld.idx.msk [tilespmem:v1+s24+$0xFFFFFF80 ss:$0x1], $0xffff;
	v8 =	vadd.f32 v9, v8;
	v9 =	vadd.f32 v11, v10;
	v10 =	vperm.xlane v0, v2  }
.Ltmp4:
0x85: {  	v15 =	vperm.xlane v0, v4;
	v7 =	vld.idx.msk [tilespmem:v1+s24+$0x0 ss:$0x1], $0xffff;
	(pc) =	sbr.rel @p0 .LBB2_11-.Ltmp4, $4  }
0x86: {  	v16 =	vperm.xlane v0, v3;
	v2 =	vld.idx.msk [tilespmem:v1+s24+$0x80 ss:$0x1], $0xffff;
	v12 =	vadd.f32 v12, v8;
	v9 =	vadd.f32 v10, v9  }
0x87: {  	v8 =	vperm.xlane v0, v6;
	v4 =	vld.idx.msk [tilespmem:v1+s24+$0x100 ss:$0x1], $0xffff  }
0x88: {  	v11 =	vperm.xlane v0, v13;
	v3 =	vld.idx.msk [tilespmem:v1+s24+$0x180 ss:$0x1], $0xffff;
	s24 =	sshra.s32 s25, $0x2;
	v10 =	vadd.f32 v15, v12;
	v12 =	vadd.f32 v16, v9  }
0x89: {  	s25 =	sadd.s32 $0x1000, s25;
	v9 =	vperm.xlane v0, v14;
	v6 =	vld.idx.msk [tilespmem:v1+s24+$0xFFFFFE00 ss:$0x1], $0xffff  }
0x8a: {  	_ =	sdelay $0x2  }
0x8b: {  	v8 =	vadd.f32 v8, v10;
	v52 =	vadd.f32 v11, v12;
	v5 =	vperm.xlane v0, v5  }
0x8c: {  	v53 =	vld.idx.msk [tilespmem:v1+s24+$0xFFFFFE80 ss:$0x1], $0xffff;
	v7 =	vperm.xlane v0, v7  }
0x8d: {  	v55 =	vld.idx.msk [tilespmem:v1+s24+$0xFFFFFF80 ss:$0x1], $0xffff;
	v2 =	vperm.xlane v0, v2;
	v8 =	vadd.f32 v9, v8;
	v5 =	vadd.f32 v5, v52  }
0x8e: {  	v54 =	vld.idx.msk [tilespmem:v1+s24+$0xFFFFFF00 ss:$0x1], $0xffff;
	v4 =	vperm.xlane v0, v4  }
0x8f: {  	v56 =	vld.idx.msk [tilespmem:v1+s24+$0x0 ss:$0x1], $0xffff;
	v3 =	vperm.xlane v0, v3;
	v7 =	vadd.f32 v7, v8;
	v2 =	vadd.f32 v2, v5  }
0x90: {  	v57 =	vld.idx.msk [tilespmem:v1+s24+$0x80 ss:$0x1], $0xffff;
	v6 =	vperm.xlane v0, v6  }
0x91: {  	v58 =	vld.idx.msk [tilespmem:v1+s24+$0x100 ss:$0x1], $0xffff;
	v11 =	vperm.xlane v0, v53;
	v4 =	vadd.f32 v4, v7;
	v2 =	vadd.f32 v3, v2  }
0x92: {  	v1 =	vld.idx.msk [tilespmem:v1+s24+$0x180 ss:$0x1], $0xffff;
	v59 =	vperm.xlane v0, v55  }
0x93: {  	v3 =	vperm.xlane v0, v54;
	v4 =	vadd.f32 v6, v4;
	v2 =	vadd.f32 v11, v2  }
0x94: {  	v60 =	vperm.xlane v0, v56  }
0x95: {  	v61 =	vperm.xlane v0, v57;
	v3 =	vadd.f32 v3, v4;
	v2 =	vadd.f32 v59, v2  }
0x96: {  	v62 =	vperm.xlane v0, v58  }
0x97: {  	v1 =	vperm.xlane v0, v1;
	v3 =	vadd.f32 v60, v3;
	v2 =	vadd.f32 v61, v2  }
0x98: {  	v63 =	vld [tilespmem:s23+$0xC900]  }
0x99: {  	s21 =	sadd.s32 $0x1, s21;
	v3 =	vadd.f32 v62, v3;
	v1 =	vadd.f32 v1, v2  }
0x9a: {  	p0 =	sne.s32 s21, $0x8  }
.Ltmp5:
0x9b: {  	v1 =	vadd.f32 v1, v3;
	(pc) =	sbr.rel @p0 .LBB2_10-.Ltmp5, $3  }
0x9c: {  	_ = 	snop  }
0x9d: {  	v1 =	vadd.f32 v63, v1;
	_ =	sdelay $0x1  }
0x9e: {  	s22 =	sadd.s32 $0x10, s22;
	[tilespmem:s23+$0xCB10] =	vst v1  }
0x9f: {  	_ =	swait.ge [sflag:s18], $0x6400  }
0xa0: {  	[sflag:s18] =	ssyncset.done $0x0  }
0xa1: {  	s21 =	simm.s32 $0x0;
	s22 =	simm.s32 $0x6600;
	[sflag:s18] =	ssyncadd.s32 $0xFFFF9C00  }
.LBB2_14:
0xa2: {  	v1 =	vmov s22;
	_ =	sdelay $0x3  }
0xa3: {  	s23 =	simm.s32 $0x0  }
0xa4: {  	v3 =	vld.idx.msk [tilespmem:v1+s23+$0xFFFFFE00 ss:$0x1], $0xffff  }
0xa5: {  	v6 =	vld.idx.msk [tilespmem:v1+s23+$0xFFFFFE80 ss:$0x1], $0xffff  }
0xa6: {  	v9 =	vld.idx.msk [tilespmem:v1+s23+$0xFFFFFF00 ss:$0x1], $0xffff  }
0xa7: {  	v5 =	vld.idx.msk [tilespmem:v1+s23+$0xFFFFFF80 ss:$0x1], $0xffff  }
0xa8: {  	v7 =	vld.idx.msk [tilespmem:v1+s23+$0x0 ss:$0x1], $0xffff  }
0xa9: {  	v2 =	vld.idx.msk [tilespmem:v1+s23+$0x80 ss:$0x1], $0xffff  }
0xaa: {  	v4 =	vld.idx.msk [tilespmem:v1+s23+$0x100 ss:$0x1], $0xffff  }
0xab: {  	s24 =	simm.s32 $0x400;
	v8 =	vperm.xlane v0, v3;
	v3 =	vld.idx.msk [tilespmem:v1+s23+$0x180 ss:$0x1], $0xffff;
	v11 =	vperm.xlane v0, v6  }
0xac: {  	v10 =	vimm.f32 $0.0e+00;
	s25 =	simm.s32 $0x2000;
	v12 =	vimm.f32 $0.0e+00;
	s23 =	sshll.u32 s21, $0x4;
	v6 =	vld.idx.msk [tilespmem:v1+s24+$0xFFFFFE00 ss:$0x1], $0xffff;
	v9 =	vperm.xlane v0, v9  }
.LBB2_15:
0xad: {  	p0 =	sne.s32 s25, $0x18000;
	v13 =	vld.idx.msk [tilespmem:v1+s24+$0xFFFFFE80 ss:$0x1], $0xffff;
	v8 =	vadd.f32 v8, v10;
	v10 =	vadd.f32 v11, v12;
	v11 =	vperm.xlane v0, v5  }
0xae: {  	v12 =	vperm.xlane v0, v7;
	v14 =	vld.idx.msk [tilespmem:v1+s24+$0xFFFFFF00 ss:$0x1], $0xffff  }
0xaf: {  	v5 =	vld.idx.msk [tilespmem:v1+s24+$0xFFFFFF80 ss:$0x1], $0xffff;
	v8 =	vadd.f32 v9, v8;
	v9 =	vadd.f32 v11, v10;
	v10 =	vperm.xlane v0, v2  }
.Ltmp6:
0xb0: {  	v15 =	vperm.xlane v0, v4;
	v7 =	vld.idx.msk [tilespmem:v1+s24+$0x0 ss:$0x1], $0xffff;
	(pc) =	sbr.rel @p0 .LBB2_15-.Ltmp6, $4  }
0xb1: {  	v16 =	vperm.xlane v0, v3;
	v2 =	vld.idx.msk [tilespmem:v1+s24+$0x80 ss:$0x1], $0xffff;
	v12 =	vadd.f32 v12, v8;
	v9 =	vadd.f32 v10, v9  }
0xb2: {  	v8 =	vperm.xlane v0, v6;
	v4 =	vld.idx.msk [tilespmem:v1+s24+$0x100 ss:$0x1], $0xffff  }
0xb3: {  	v11 =	vperm.xlane v0, v13;
	v3 =	vld.idx.msk [tilespmem:v1+s24+$0x180 ss:$0x1], $0xffff;
	s24 =	sshra.s32 s25, $0x2;
	v10 =	vadd.f32 v15, v12;
	v12 =	vadd.f32 v16, v9  }
0xb4: {  	s25 =	sadd.s32 $0x1000, s25;
	v9 =	vperm.xlane v0, v14;
	v6 =	vld.idx.msk [tilespmem:v1+s24+$0xFFFFFE00 ss:$0x1], $0xffff  }
0xb5: {  	_ =	sdelay $0x2  }
0xb6: {  	v8 =	vadd.f32 v8, v10;
	v52 =	vadd.f32 v11, v12;
	v5 =	vperm.xlane v0, v5  }
0xb7: {  	v53 =	vld.idx.msk [tilespmem:v1+s24+$0xFFFFFE80 ss:$0x1], $0xffff;
	v7 =	vperm.xlane v0, v7  }
0xb8: {  	v55 =	vld.idx.msk [tilespmem:v1+s24+$0xFFFFFF80 ss:$0x1], $0xffff;
	v2 =	vperm.xlane v0, v2;
	v8 =	vadd.f32 v9, v8;
	v5 =	vadd.f32 v5, v52  }
0xb9: {  	v54 =	vld.idx.msk [tilespmem:v1+s24+$0xFFFFFF00 ss:$0x1], $0xffff;
	v4 =	vperm.xlane v0, v4  }
0xba: {  	v56 =	vld.idx.msk [tilespmem:v1+s24+$0x0 ss:$0x1], $0xffff;
	v3 =	vperm.xlane v0, v3;
	v7 =	vadd.f32 v7, v8;
	v2 =	vadd.f32 v2, v5  }
0xbb: {  	v57 =	vld.idx.msk [tilespmem:v1+s24+$0x80 ss:$0x1], $0xffff;
	v6 =	vperm.xlane v0, v6  }
0xbc: {  	v58 =	vld.idx.msk [tilespmem:v1+s24+$0x100 ss:$0x1], $0xffff;
	v11 =	vperm.xlane v0, v53;
	v4 =	vadd.f32 v4, v7;
	v2 =	vadd.f32 v3, v2  }
0xbd: {  	v1 =	vld.idx.msk [tilespmem:v1+s24+$0x180 ss:$0x1], $0xffff;
	v59 =	vperm.xlane v0, v55  }
0xbe: {  	v3 =	vperm.xlane v0, v54;
	v4 =	vadd.f32 v6, v4;
	v2 =	vadd.f32 v11, v2  }
0xbf: {  	v60 =	vperm.xlane v0, v56  }
0xc0: {  	v61 =	vperm.xlane v0, v57;
	v3 =	vadd.f32 v3, v4;
	v2 =	vadd.f32 v59, v2  }
0xc1: {  	v62 =	vperm.xlane v0, v58  }
0xc2: {  	v1 =	vperm.xlane v0, v1;
	v3 =	vadd.f32 v60, v3;
	v2 =	vadd.f32 v61, v2  }
0xc3: {  	v63 =	vld [tilespmem:s23+$0xC980]  }
0xc4: {  	s21 =	sadd.s32 $0x1, s21;
	v3 =	vadd.f32 v62, v3;
	v1 =	vadd.f32 v1, v2  }
0xc5: {  	p0 =	sne.s32 s21, $0x8  }
.Ltmp7:
0xc6: {  	v1 =	vadd.f32 v1, v3;
	(pc) =	sbr.rel @p0 .LBB2_14-.Ltmp7, $3  }
0xc7: {  	_ = 	snop  }
0xc8: {  	v1 =	vadd.f32 v63, v1;
	_ =	sdelay $0x1  }
0xc9: {  	s22 =	sadd.s32 $0x10, s22;
	[tilespmem:s23+$0xCB90] =	vst v1  }
0xca: {  	s20 =	sadd.s32 $0x1, s20  }
0xcb: {  	p0 =	sne.s32 s20, s10  }
.Ltmp8:
0xcc: {  	_ = 	snop;
	(pc) =	sbr.rel @p0 .LBB2_1-.Ltmp8, $4  }
0xcd: {  	[hbm4b:s9+s3] =	stream.linear.scatter [tilespmem:s19], [sflag:$0x3], $0x200, $0x38;
	[tilespmem:$0xCC10] =	vst v63  }
0xce: {  	_ =	swait.ge [sflag:s12], $0x200  }
0xcf: {  	[sflag:s12] =	ssyncset.done $0x0  }
0xd0: {  	[sflag:s12] =	ssyncadd.s32 $0xFFFFFE00  }
0xd1: {  	_ =	sfence.sel $0x180000  }
0xd2: {  	[bflag:$0x0] =	sbarrier.arrive $0xFFFF  }
0xd3: {  	p0 =	sne.s32 s1, $0x0;
	_ =	strace $0x90000047  }
0xd4: {  	s0 =	sadd.s32 @!p0 $0x100000, s0;
	[bflag:$0x2] =	sbarrier.arrive $0xFFFF  }
0xd5: {  	[sflag:s0] =	ssyncadd.tile.s32 @!p0 $0x1;
	_ =	shalt  }
.Lfunc_end2:
_tile_overlayer_lowered:
.L_overlay_start_2:
0xd6: {  	(tag) =	ssettag $0x2  }
0xd7: {  	s0 =	rddreg [dreg:$0x0];
	s2 =	stileid.u32  }
0xd8: {  	s1 =	rddreg [dreg:$0x1];
	p0 =	sne.s32 s2, $0x0  }
0xd9: {  	s3 =	rddreg [dreg:$0x2];
	[bflag:$0x3] =	sbarrier.arrive $0xFFFF;
	s2 =	simm.s32 @!p0 $0x1C03  }
0xda: {  	[timem:s3], [sflag:s2] =	dma.local @!p0 [hbm:s0], s1  }
0xdb: {  	s0 =	simm.s32 @!p0 $0x3  }
0xdc: {  	_ =	swait.ge @!p0 [sflag:s0], s1  }
0xdd: {  	s1 =	ssub.s32 @!p0 $0x0, s1;
	[sflag:s0] =	ssyncset.done @!p0 $0x0  }
0xde: {  	[sflag:s0] =	ssyncadd.s32 @!p0 s1  }
0xdf: {  	[bflag:$0x3] =	sbarrier.arrive $0xFFFF  }
0xe0: {  	_ =	shalt  }

</sc_bundles>
